<compile_context>
chip_gen: v7x
topology: tpu7x:2x2x1
jax: 0.10.2.dev20260603
libtpu: 0.0.44.dev20260713+nightly
codegen_flags: <defaults>
</compile_context>

<pallas_src>
import jax
import jax.numpy as jnp
from jax import lax
from jax.experimental import pallas as pl
from jax.experimental.pallas import tpu as pltpu
from jax.experimental.pallas import tpu_sc as plsc

NC = 2
NS = 16
NW = NC * NS
K = 80
DEG_W = 16


def _sc_mesh():
    return plsc.VectorSubcoreMesh(
        core_axis_name="c", subcore_axis_name="s", num_cores=NC, num_subcores=NS
    )


def _sc_degrees(src, dst, n_pad):
    e = src.shape[0]
    per_tile = e // NW
    steps = per_tile // K
    rows = n_pad // NS

    def body(src_h, dst_h, out_h, acc_od, acc_id, src_v, dst_v, ones_v,
             zbuf, sem):
        cid = lax.axis_index("c")
        sid = lax.axis_index("s")
        wid = sid * NC + cid
        base = wid * per_tile

        def fill_ones(i, carry):
            ones_v[pl.ds(pl.multiple_of(i * 16, 16), 16)] = jnp.ones(
                (16,), jnp.float32)
            return carry

        lax.fori_loop(0, K // 16, fill_ones, 0)

        def fill_zeros(i, carry):
            zbuf[pl.ds(pl.multiple_of(i * 16, 16), 16)] = jnp.zeros(
                (16,), jnp.float32)
            return carry

        lax.fori_loop(0, rows // 16, fill_zeros, 0)
        my0 = pl.multiple_of(sid * rows, 8)
        pltpu.sync_copy(zbuf, acc_od.at[pl.ds(my0, rows)])
        pltpu.sync_copy(zbuf, acc_id.at[pl.ds(my0, rows)])
        plsc.subcore_barrier()

        def step(i, carry):
            pltpu.sync_copy(src_h.at[pl.ds(base + i * K, K)], src_v)
            pltpu.sync_copy(dst_h.at[pl.ds(base + i * K, K)], dst_v)
            pltpu.sync_copy(ones_v, acc_od.at[src_v], add=True)
            pltpu.sync_copy(ones_v, acc_id.at[dst_v], add=True)
            return carry

        lax.fori_loop(0, steps, step, 0)
        plsc.subcore_barrier()

        my0 = pl.multiple_of(sid * rows, 8)
        o_od = pl.multiple_of(cid * 2 * n_pad + sid * rows, 8)
        o_id = pl.multiple_of(cid * 2 * n_pad + n_pad + sid * rows, 8)
        pltpu.sync_copy(acc_od.at[pl.ds(my0, rows)], zbuf)
        pltpu.sync_copy(zbuf, out_h.at[pl.ds(o_od, rows)])
        pltpu.sync_copy(acc_id.at[pl.ds(my0, rows)], zbuf)
        pltpu.sync_copy(zbuf, out_h.at[pl.ds(o_id, rows)])

    run = pl.kernel(
        body,
        out_type=jax.ShapeDtypeStruct((NC * 2 * n_pad,), jnp.float32),
        mesh=_sc_mesh(),
        scratch_types=[
            pltpu.VMEM_SHARED((n_pad,), jnp.float32),
            pltpu.VMEM_SHARED((n_pad,), jnp.float32),
            pltpu.VMEM((K,), jnp.int32),
            pltpu.VMEM((K,), jnp.int32),
            pltpu.VMEM((K,), jnp.float32),
            pltpu.VMEM((rows,), jnp.float32),
            pltpu.SemaphoreType.DMA,
        ],
    )
    return run(src, dst)


def _sc_aggregate(src, dst, m, zeros_h):
    e = src.shape[0]
    n, d = m.shape
    per_tile = e // NW
    steps = per_tile // K
    rows = zeros_h.shape[0]
    n_pad = rows * NS

    def body(src_h, dst_h, m_h, zeros_hbm, out_h, acc,
             src_v, dst_v, rows_v, sem):
        cid = lax.axis_index("c")
        sid = lax.axis_index("s")
        wid = sid * NC + cid
        base = wid * per_tile
        pltpu.sync_copy(zeros_hbm, acc.at[pl.ds(sid * rows, rows)])
        plsc.subcore_barrier()

        def step(i, carry):
            pltpu.sync_copy(src_h.at[pl.ds(base + i * K, K)], src_v)
            pltpu.sync_copy(dst_h.at[pl.ds(base + i * K, K)], dst_v)
            pltpu.async_copy(m_h.at[src_v], rows_v, sem).wait()
            pltpu.sync_copy(rows_v, acc.at[dst_v], add=True)
            return carry

        lax.fori_loop(0, steps, step, 0)
        plsc.subcore_barrier()
        pltpu.sync_copy(acc.at[pl.ds(sid * rows, rows)],
                        out_h.at[cid, pl.ds(sid * rows, rows)])

    run = pl.kernel(
        body,
        out_type=jax.ShapeDtypeStruct((NC, n_pad, d), jnp.float32),
        mesh=_sc_mesh(),
        scratch_types=[
            pltpu.VMEM_SHARED((n_pad, d), jnp.float32),
            pltpu.VMEM((K,), jnp.int32),
            pltpu.VMEM((K,), jnp.int32),
            pltpu.VMEM((K, d), jnp.float32),
            pltpu.SemaphoreType.DMA,
        ],
    )
    return run(src, dst, m, zeros_h)


def _tc_embed(x, w, b, deg4):
    n, d = x.shape

    def body(x_ref, w_ref, b_ref, deg_ref, h_ref, m_ref, nrm_ref):
        od = deg_ref[:, 0:1] + deg_ref[:, 1:2]
        idg = deg_ref[:, 2:3] + deg_ref[:, 3:4]
        nout = jnp.where(od > 0, lax.rsqrt(od), 0.0)
        nin = jnp.where(idg > 0, lax.rsqrt(idg), 0.0)
        h = jnp.dot(x_ref[...], w_ref[...], preferred_element_type=jnp.float32)
        h = h + b_ref[...]
        h_ref[...] = h
        m_ref[...] = h * nout
        nrm_ref[...] = jnp.concatenate([nin, nout], axis=1)

    return pl.pallas_call(
        body,
        out_shape=[
            jax.ShapeDtypeStruct((n, d), jnp.float32),
            jax.ShapeDtypeStruct((n, d), jnp.float32),
            jax.ShapeDtypeStruct((n, 2), jnp.float32),
        ],
    )(x, w, b, deg4)


def _gcn_dense(p, h_prev, scl3, w, b, gamma, beta):
    n, d = h_prev.shape

    def body(p_ref, h_ref, s_ref, w_ref, b_ref, g_ref, be_ref,
             out_h_ref, out_m_ref):
        nin = s_ref[:, 0:1]
        nout = s_ref[:, 1:2]
        sn = s_ref[:, 2:3]
        psum = p_ref[0] + p_ref[1]
        agg = psum[:n] * nin
        t = jnp.dot(agg, w_ref[...], preferred_element_type=jnp.float32)
        t = (t + b_ref[...]) * sn
        mean = jnp.mean(t, axis=0, keepdims=True)
        var = jnp.mean((t - mean) * (t - mean), axis=0, keepdims=True)
        hh = (t - mean) * lax.rsqrt(var + 1e-5) * g_ref[...] + be_ref[...]
        h_next = h_ref[...] + jnp.maximum(hh, 0.0)
        out_h_ref[...] = h_next
        out_m_ref[...] = h_next * nout

    return pl.pallas_call(
        body,
        out_shape=[
            jax.ShapeDtypeStruct((n, d), jnp.float32),
            jax.ShapeDtypeStruct((n, d), jnp.float32),
        ],
    )(p, h_prev, scl3, w, b, gamma, beta)


def _gcn_final(p, h_prev, scl3, w, b, gamma, beta, w_out):
    n, d = h_prev.shape
    c = w_out.shape[1]

    def body(p_ref, h_ref, s_ref, w_ref, b_ref, g_ref, be_ref, wo_ref,
             out_ref):
        nin = s_ref[:, 0:1]
        sn = s_ref[:, 2:3]
        psum = p_ref[0] + p_ref[1]
        agg = psum[:n] * nin
        t = jnp.dot(agg, w_ref[...], preferred_element_type=jnp.float32)
        t = (t + b_ref[...]) * sn
        mean = jnp.mean(t, axis=0, keepdims=True)
        var = jnp.mean((t - mean) * (t - mean), axis=0, keepdims=True)
        hh = (t - mean) * lax.rsqrt(var + 1e-5) * g_ref[...] + be_ref[...]
        h_next = h_ref[...] + jnp.maximum(hh, 0.0)
        hg = jnp.mean(h_next, axis=0, keepdims=True)
        out_ref[...] = jnp.dot(hg, wo_ref[...],
                               preferred_element_type=jnp.float32)

    return pl.pallas_call(
        body,
        out_shape=jax.ShapeDtypeStruct((1, c), jnp.float32),
    )(p, h_prev, scl3, w, b, gamma, beta, w_out)


def kernel(nodes_feat, edge_index, edges_feat, nodes_num_norm_sqrt,
           edges_num_norm_sqrt, W_emb, b_emb, W1, b1, gamma1, beta1,
           W2, b2, gamma2, beta2, W_out):
    n, d = nodes_feat.shape
    e = edge_index.shape[1]
    assert e % (NW * K) == 0

    rows = -(-n // (NS * 8)) * 8

    src = edge_index[0]
    dst = edge_index[1]
    zeros_agg = jnp.zeros((rows, d), jnp.float32)
    n_pad = rows * NS

    degp = _sc_degrees(src, dst, n_pad).reshape(NC, 2, n_pad)
    deg4 = jnp.stack(
        [degp[0, 0, :n], degp[1, 0, :n],
         degp[0, 1, :n], degp[1, 1, :n]], axis=1)

    h0, m1, nrm2 = _tc_embed(nodes_feat, W_emb, b_emb.reshape(1, d), deg4)
    scl3 = jnp.concatenate([nrm2, nodes_num_norm_sqrt], axis=1)

    p1 = _sc_aggregate(src, dst, m1, zeros_agg)
    h1, m2 = _gcn_dense(p1, h0, scl3, W1, b1.reshape(1, d),
                        gamma1.reshape(1, d), beta1.reshape(1, d))

    p2 = _sc_aggregate(src, dst, m2, zeros_agg)
    logits = _gcn_final(p2, h1, scl3, W2, b2.reshape(1, d),
                        gamma2.reshape(1, d), beta2.reshape(1, d), W_out)
    return logits

# --- scband reference (transcript-rebuilt; emitter-appended) ---
"""Pipeline reference for scband-gcnnet2-7129645711575 (READ-ONLY COPY).

The authoritative reference and input builder live on the scoring server;
editing this copy changes nothing except your own understanding.
"""

import jax, jax.numpy as jnp
import numpy as np

N = 10000
E = 320000
D = 128
C = 10


def setup_inputs(seed: int = 0) -> dict:
    key = jax.random.key(seed)
    ks = jax.random.split(key, 20)
    inp = {}
    inp["nodes_feat"] = jax.random.normal(ks[0], (N, D), dtype=jnp.float32)
    inp["edge_index"] = jax.random.randint(ks[1], (2, E), 0, N, dtype=jnp.int32)
    inp["edges_feat"] = jax.random.normal(ks[2], (E, 16), dtype=jnp.float32)
    inp["nodes_num_norm_sqrt"] = jax.random.uniform(ks[3], (N, 1), dtype=jnp.float32)
    inp["edges_num_norm_sqrt"] = jax.random.uniform(ks[4], (E, 1), dtype=jnp.float32)
    # parameters
    inp["W_emb"] = jax.random.normal(ks[5], (D, D), dtype=jnp.float32) * 0.05
    inp["b_emb"] = jnp.zeros((D,), dtype=jnp.float32)
    inp["W1"] = jax.random.normal(ks[6], (D, D), dtype=jnp.float32) * 0.05
    inp["b1"] = jnp.zeros((D,), dtype=jnp.float32)
    inp["gamma1"] = jnp.ones((D,), dtype=jnp.float32)
    inp["beta1"] = jnp.zeros((D,), dtype=jnp.float32)
    inp["W2"] = jax.random.normal(ks[7], (D, D), dtype=jnp.float32) * 0.05
    inp["b2"] = jnp.zeros((D,), dtype=jnp.float32)
    inp["gamma2"] = jnp.ones((D,), dtype=jnp.float32)
    inp["beta2"] = jnp.zeros((D,), dtype=jnp.float32)
    inp["W_out"] = jax.random.normal(ks[8], (D, C), dtype=jnp.float32) * 0.05
    return inp


def _gcn_layer(h, edge_index, snorm_n, W, b, gamma, beta):
    # dgl GraphConv(norm='both') with in_dim == out_dim: aggregate first, then matmul
    src = edge_index[0]
    dst = edge_index[1]
    n = h.shape[0]
    ones = jnp.ones((src.shape[0],), dtype=h.dtype)
    out_deg = jnp.zeros((n,), dtype=h.dtype).at[src].add(ones)
    in_deg = jnp.zeros((n,), dtype=h.dtype).at[dst].add(ones)
    norm_out = jnp.where(out_deg > 0, out_deg ** -0.5, 0.0)
    norm_in = jnp.where(in_deg > 0, in_deg ** -0.5, 0.0)
    h_in = h
    m = h * norm_out[:, None]
    agg = jnp.zeros_like(h).at[dst].add(m[src])
    agg = agg * norm_in[:, None]
    hh = agg @ W + b
    # graph_norm: multiply by per-node snorm
    hh = hh * snorm_n
    # batch norm (training-mode batch statistics)
    mean = jnp.mean(hh, axis=0)
    var = jnp.var(hh, axis=0)
    hh = (hh - mean) / jnp.sqrt(var + 1e-5) * gamma + beta
    hh = jax.nn.relu(hh)
    # residual
    hh = h_in + hh
    # dropout p=0.0 -> identity
    return hh


def reference(nodes_feat, edge_index, edges_feat, nodes_num_norm_sqrt, edges_num_norm_sqrt,
              W_emb, b_emb, W1, b1, gamma1, beta1, W2, b2, gamma2, beta2, W_out):
    h = nodes_feat @ W_emb + b_emb
    h = _gcn_layer(h, edge_index, nodes_num_norm_sqrt, W1, b1, gamma1, beta1)
    h = _gcn_layer(h, edge_index, nodes_num_norm_sqrt, W2, b2, gamma2, beta2)
    # readout 'mean' over a single (batched-as-one) graph
    hg = jnp.mean(h, axis=0, keepdims=True)
    logits = hg @ W_out
    return logits

if __name__ == "__main__":
    import jax
    _d = setup_inputs()
    print(jax.jit(kernel)(*tuple(_d.values())))

</pallas_src>

<mosaic_0001>
#map = affine_map<(d0, d1) -> (0)>
#map1 = affine_map<(d0, d1) -> (0, 0)>
#map2 = affine_map<(d0, d1) -> (0, 0, 0)>
module attributes {stable_mosaic.version = 14 : i64} {
  func.func @body(%arg0: i32, %arg1: i32, %arg2: memref<320000xi32, #tpu.memory_space<hbm>>, %arg3: memref<320000xi32, #tpu.memory_space<hbm>>, %arg4: memref<10000x128xf32, #tpu.memory_space<hbm>>, %arg5: memref<632x128xf32, #tpu.memory_space<hbm>>, %arg6: memref<2x10112x128xf32, #tpu.memory_space<hbm>>, %arg7: memref<10112x128xf32, #tpu.memory_space<vmem_shared>>, %arg8: memref<80xi32, #tpu.memory_space<vmem>>, %arg9: memref<80xi32, #tpu.memory_space<vmem>>, %arg10: memref<80x128xf32, #tpu.memory_space<vmem>>, %arg11: memref<!tpu.dma_semaphore, #tpu.memory_space<semaphore_mem>>) attributes {dimension_semantics = [#tpu.dimension_semantics<core_parallel>, #tpu.dimension_semantics<subcore_parallel>], iteration_bounds = array<i64: 2, 16>, scalar_prefetch = 0 : i64, scratch_operands = 5 : i64, tpu.core_type = #tpu.core_type<sc_vector_subcore>, window_params = [{transform_indices = #map}, {transform_indices = #map}, {transform_indices = #map1}, {transform_indices = #map1}, {transform_indices = #map2}]} {
    %mul3A = arith.constant 2 : i32
    %mul3A_0 = arith.muli %arg1, %mul3A : i32
    %add3A = arith.addi %mul3A_0, %arg0 : i32
    %mul3A_1 = arith.constant 10000 : i32
    %mul3A_2 = arith.muli %add3A, %mul3A_1 : i32
    %mul3A_3 = arith.constant 632 : i32
    %mul3A_4 = arith.muli %arg1, %mul3A_3 : i32
    "tpu.region"() ({
      %run_scoped3A = tpu.sem_alloc : memref<!tpu.dma_semaphore, #tpu.memory_space<semaphore_mem>>
      %dma_start3A = arith.constant 0 : i32
      %dma_start3A_15 = tpu.memref_slice %arg7[%mul3A_4, %dma_start3A] : memref<10112x128xf32, #tpu.memory_space<vmem_shared>> -> memref<632x128xf32, #tpu.memory_space<vmem_shared>>
      tpu.enqueue_dma source(%arg5 : memref<632x128xf32, #tpu.memory_space<hbm>>) target(%dma_start3A_15 : memref<632x128xf32, #tpu.memory_space<vmem_shared>>) target_semaphore(%run_scoped3A : memref<!tpu.dma_semaphore, #tpu.memory_space<semaphore_mem>>)
      %dma_wait3A = arith.constant 0 : i32
      %dma_wait3A_16 = tpu.memref_slice %arg7[%mul3A_4, %dma_wait3A] : memref<10112x128xf32, #tpu.memory_space<vmem_shared>> -> memref<632x128xf32, #tpu.memory_space<vmem_shared>>
      tpu.wait_dma2 semaphore(%run_scoped3A : memref<!tpu.dma_semaphore, #tpu.memory_space<semaphore_mem>>) src(%arg5 : memref<632x128xf32, #tpu.memory_space<hbm>>) dst(%dma_wait3A_16 : memref<632x128xf32, #tpu.memory_space<vmem_shared>>)
      tpu.yield
    }) : () -> ()
    %barrier3A = arith.constant 0 : index
    tpu.barrier barrier_id(%barrier3A)
    %scan3A = arith.constant 0 : i32
    %scan3A_5 = arith.constant 0 : i32
    %scan3A_6 = arith.constant 125 : i32
    %scan3A_7 = arith.addi %scan3A_5, %scan3A_6 : i32
    %scan3A_8 = arith.constant 1 : i32
    scf.for %scan3A_15 = %scan3A_5 to %scan3A_7 step %scan3A_8  : i32 {
      %mul3A_16 = arith.constant 80 : i32
      %mul3A_17 = arith.muli %scan3A_15, %mul3A_16 : i32
      %add3A_18 = arith.addi %mul3A_2, %mul3A_17 : i32
      "tpu.region"() ({
        %run_scoped3A = tpu.sem_alloc : memref<!tpu.dma_semaphore, #tpu.memory_space<semaphore_mem>>
        %dma_start3A_26 = tpu.memref_slice %arg2[%add3A_18] : memref<320000xi32, #tpu.memory_space<hbm>> -> memref<80xi32, #tpu.memory_space<hbm>>
        %dma_start3A_27 = tpu.memref_slice %arg2[%add3A_18] : memref<320000xi32, #tpu.memory_space<hbm>> -> memref<80xi32, #tpu.memory_space<hbm>>
        tpu.enqueue_dma source(%dma_start3A_27 : memref<80xi32, #tpu.memory_space<hbm>>) target(%arg8 : memref<80xi32, #tpu.memory_space<vmem>>) target_semaphore(%run_scoped3A : memref<!tpu.dma_semaphore, #tpu.memory_space<semaphore_mem>>)
        %dma_wait3A_28 = tpu.memref_slice %arg2[%add3A_18] : memref<320000xi32, #tpu.memory_space<hbm>> -> memref<80xi32, #tpu.memory_space<hbm>>
        %dma_wait3A_29 = tpu.memref_slice %arg2[%add3A_18] : memref<320000xi32, #tpu.memory_space<hbm>> -> memref<80xi32, #tpu.memory_space<hbm>>
        tpu.wait_dma2 semaphore(%run_scoped3A : memref<!tpu.dma_semaphore, #tpu.memory_space<semaphore_mem>>) src(%dma_wait3A_29 : memref<80xi32, #tpu.memory_space<hbm>>) dst(%arg8 : memref<80xi32, #tpu.memory_space<vmem>>)
        tpu.yield
      }) : () -> ()
      %mul3A_19 = arith.constant 80 : i32
      %mul3A_20 = arith.muli %scan3A_15, %mul3A_19 : i32
      %add3A_21 = arith.addi %mul3A_2, %mul3A_20 : i32
      "tpu.region"() ({
        %run_scoped3A = tpu.sem_alloc : memref<!tpu.dma_semaphore, #tpu.memory_space<semaphore_mem>>
        %dma_start3A_26 = tpu.memref_slice %arg3[%add3A_21] : memref<320000xi32, #tpu.memory_space<hbm>> -> memref<80xi32, #tpu.memory_space<hbm>>
        %dma_start3A_27 = tpu.memref_slice %arg3[%add3A_21] : memref<320000xi32, #tpu.memory_space<hbm>> -> memref<80xi32, #tpu.memory_space<hbm>>
        tpu.enqueue_dma source(%dma_start3A_27 : memref<80xi32, #tpu.memory_space<hbm>>) target(%arg9 : memref<80xi32, #tpu.memory_space<vmem>>) target_semaphore(%run_scoped3A : memref<!tpu.dma_semaphore, #tpu.memory_space<semaphore_mem>>)
        %dma_wait3A_28 = tpu.memref_slice %arg3[%add3A_21] : memref<320000xi32, #tpu.memory_space<hbm>> -> memref<80xi32, #tpu.memory_space<hbm>>
        %dma_wait3A_29 = tpu.memref_slice %arg3[%add3A_21] : memref<320000xi32, #tpu.memory_space<hbm>> -> memref<80xi32, #tpu.memory_space<hbm>>
        tpu.wait_dma2 semaphore(%run_scoped3A : memref<!tpu.dma_semaphore, #tpu.memory_space<semaphore_mem>>) src(%dma_wait3A_29 : memref<80xi32, #tpu.memory_space<hbm>>) dst(%arg9 : memref<80xi32, #tpu.memory_space<vmem>>)
        tpu.yield
      }) : () -> ()
      %dma_start3A = arith.constant 0 : i32
      %dma_start3A_22 = arith.constant 0 : i32
      %dma_start3A_23 = tpu.memref_slice %arg4[%dma_start3A, %dma_start3A_22] : memref<10000x128xf32, #tpu.memory_space<hbm>> -> memref<10000x128xf32, #tpu.memory_space<hbm>>
      tpu.enqueue_indirect_dma source(%dma_start3A_23 : memref<10000x128xf32, #tpu.memory_space<hbm>>) target(%arg10 : memref<80x128xf32, #tpu.memory_space<vmem>>) offsets(%arg8 : memref<80xi32, #tpu.memory_space<vmem>>) semaphore(%arg11 : memref<!tpu.dma_semaphore, #tpu.memory_space<semaphore_mem>>)
      %dma_wait3A = arith.constant 0 : i32
      %dma_wait3A_24 = arith.constant 0 : i32
      %dma_wait3A_25 = tpu.memref_slice %arg4[%dma_wait3A, %dma_wait3A_24] : memref<10000x128xf32, #tpu.memory_space<hbm>> -> memref<10000x128xf32, #tpu.memory_space<hbm>>
      tpu.wait_indirect_dma semaphore(%arg11 : memref<!tpu.dma_semaphore, #tpu.memory_space<semaphore_mem>>) src(%dma_wait3A_25 : memref<10000x128xf32, #tpu.memory_space<hbm>>) dst(%arg10 : memref<80x128xf32, #tpu.memory_space<vmem>>)
      "tpu.region"() ({
        %run_scoped3A = tpu.sem_alloc : memref<!tpu.dma_semaphore, #tpu.memory_space<semaphore_mem>>
        %dma_start3A_26 = arith.constant 0 : i32
        %dma_start3A_27 = arith.constant 0 : i32
        %dma_start3A_28 = tpu.memref_slice %arg7[%dma_start3A_26, %dma_start3A_27] : memref<10112x128xf32, #tpu.memory_space<vmem_shared>> -> memref<10112x128xf32, #tpu.memory_space<vmem_shared>>
        tpu.enqueue_indirect_dma source(%arg10 : memref<80x128xf32, #tpu.memory_space<vmem>>) target(%dma_start3A_28 : memref<10112x128xf32, #tpu.memory_space<vmem_shared>>) offsets(%arg9 : memref<80xi32, #tpu.memory_space<vmem>>) semaphore(%run_scoped3A : memref<!tpu.dma_semaphore, #tpu.memory_space<semaphore_mem>>) {add = true}
        %dma_wait3A_29 = arith.constant 0 : i32
        %dma_wait3A_30 = arith.constant 0 : i32
        %dma_wait3A_31 = tpu.memref_slice %arg7[%dma_wait3A_29, %dma_wait3A_30] : memref<10112x128xf32, #tpu.memory_space<vmem_shared>> -> memref<10112x128xf32, #tpu.memory_space<vmem_shared>>
        tpu.wait_indirect_dma semaphore(%run_scoped3A : memref<!tpu.dma_semaphore, #tpu.memory_space<semaphore_mem>>) src(%arg10 : memref<80x128xf32, #tpu.memory_space<vmem>>) dst(%dma_wait3A_31 : memref<10112x128xf32, #tpu.memory_space<vmem_shared>>)
        tpu.yield
      }) : () -> ()
    }
    %scan3A_9 = arith.constant 125 : i32
    %barrier3A_10 = arith.constant 0 : index
    tpu.barrier barrier_id(%barrier3A_10)
    %mul3A_11 = arith.constant 632 : i32
    %mul3A_12 = arith.muli %arg1, %mul3A_11 : i32
    %mul3A_13 = arith.constant 632 : i32
    %mul3A_14 = arith.muli %arg1, %mul3A_13 : i32
    "tpu.region"() ({
      %run_scoped3A = tpu.sem_alloc : memref<!tpu.dma_semaphore, #tpu.memory_space<semaphore_mem>>
      %dma_start3A = arith.constant 0 : i32
      %dma_start3A_15 = tpu.memref_slice %arg6[%arg0, %mul3A_14, %dma_start3A] : memref<2x10112x128xf32, #tpu.memory_space<hbm>> -> memref<1x632x128xf32, #tpu.memory_space<hbm>>
      %dma_start3A_16 = tpu.memref_squeeze %dma_start3A_15 : memref<1x632x128xf32, #tpu.memory_space<hbm>> -> memref<632x128xf32, #tpu.memory_space<hbm>>
      %dma_start3A_17 = arith.constant 0 : i32
      %dma_start3A_18 = tpu.memref_slice %arg7[%mul3A_12, %dma_start3A_17] : memref<10112x128xf32, #tpu.memory_space<vmem_shared>> -> memref<632x128xf32, #tpu.memory_space<vmem_shared>>
      tpu.enqueue_dma source(%dma_start3A_18 : memref<632x128xf32, #tpu.memory_space<vmem_shared>>) target(%dma_start3A_16 : memref<632x128xf32, #tpu.memory_space<hbm>>) target_semaphore(%run_scoped3A : memref<!tpu.dma_semaphore, #tpu.memory_space<semaphore_mem>>)
      %dma_wait3A = arith.constant 0 : i32
      %dma_wait3A_19 = tpu.memref_slice %arg6[%arg0, %mul3A_14, %dma_wait3A] : memref<2x10112x128xf32, #tpu.memory_space<hbm>> -> memref<1x632x128xf32, #tpu.memory_space<hbm>>
      %dma_wait3A_20 = tpu.memref_squeeze %dma_wait3A_19 : memref<1x632x128xf32, #tpu.memory_space<hbm>> -> memref<632x128xf32, #tpu.memory_space<hbm>>
      %dma_wait3A_21 = arith.constant 0 : i32
      %dma_wait3A_22 = tpu.memref_slice %arg7[%mul3A_12, %dma_wait3A_21] : memref<10112x128xf32, #tpu.memory_space<vmem_shared>> -> memref<632x128xf32, #tpu.memory_space<vmem_shared>>
      tpu.wait_dma2 semaphore(%run_scoped3A : memref<!tpu.dma_semaphore, #tpu.memory_space<semaphore_mem>>) src(%dma_wait3A_22 : memref<632x128xf32, #tpu.memory_space<vmem_shared>>) dst(%dma_wait3A_20 : memref<632x128xf32, #tpu.memory_space<hbm>>)
      tpu.yield
    }) : () -> ()
    return
  }
}

#map = affine_map<(d0, d1) -> (0)>
module attributes {stable_mosaic.version = 14 : i64} {
  func.func @body(%arg0: i32, %arg1: i32, %arg2: memref<320000xi32, #tpu.memory_space<hbm>>, %arg3: memref<320000xi32, #tpu.memory_space<hbm>>, %arg4: memref<40448xf32, #tpu.memory_space<hbm>>, %arg5: memref<10112xf32, #tpu.memory_space<vmem_shared>>, %arg6: memref<10112xf32, #tpu.memory_space<vmem_shared>>, %arg7: memref<80xi32, #tpu.memory_space<vmem>>, %arg8: memref<80xi32, #tpu.memory_space<vmem>>, %arg9: memref<80xf32, #tpu.memory_space<vmem>>, %arg10: memref<632xf32, #tpu.memory_space<vmem>>, %arg11: memref<!tpu.dma_semaphore, #tpu.memory_space<semaphore_mem>>) attributes {dimension_semantics = [#tpu.dimension_semantics<core_parallel>, #tpu.dimension_semantics<subcore_parallel>], iteration_bounds = array<i64: 2, 16>, scalar_prefetch = 0 : i64, scratch_operands = 7 : i64, tpu.core_type = #tpu.core_type<sc_vector_subcore>, window_params = [{transform_indices = #map}, {transform_indices = #map}, {transform_indices = #map}]} {
    %mul3A = arith.constant 2 : i32
    %mul3A_0 = arith.muli %arg1, %mul3A : i32
    %add3A = arith.addi %mul3A_0, %arg0 : i32
    %mul3A_1 = arith.constant 10000 : i32
    %mul3A_2 = arith.muli %add3A, %mul3A_1 : i32
    %scan3A = arith.constant 0 : i32
    %scan3A_3 = arith.constant 0 : i32
    %scan3A_4 = arith.constant 5 : i32
    %scan3A_5 = arith.addi %scan3A_3, %scan3A_4 : i32
    %scan3A_6 = arith.constant 1 : i32
    scf.for %scan3A_44 = %scan3A_3 to %scan3A_5 step %scan3A_6  : i32 {
      %broadcast_in_dim3A = arith.constant 1.000000e+00 : f32
      %broadcast_in_dim3A_45 = vector.broadcast %broadcast_in_dim3A : f32 to vector<16xf32>
      %mul3A_46 = arith.constant 16 : i32
      %mul3A_47 = arith.muli %scan3A_44, %mul3A_46 : i32
      %multiple_of3A_48 = tpu.assume_multiple %mul3A_47, 16 : i32
      %swap3A = arith.index_cast %multiple_of3A_48 : i32 to index
      %swap3A_49 = tpu.vector_load %arg9[%swap3A] {strides = array<i32>} : memref<80xf32, #tpu.memory_space<vmem>>, vector<16xf32>,
      %swap3A_50 = vector.shape_cast %swap3A_49 : vector<16xf32> to vector<16xf32>
      %swap3A_51 = vector.shape_cast %broadcast_in_dim3A_45 : vector<16xf32> to vector<16xf32>
      tpu.vector_store %arg9[%swap3A], %swap3A_51 {strides = array<i32>} : memref<80xf32, #tpu.memory_space<vmem>>, vector<16xf32>,
    }
    %scan3A_7 = arith.constant 5 : i32
    %scan3A_8 = arith.constant 0 : i32
    %scan3A_9 = arith.constant 0 : i32
    %scan3A_10 = arith.constant 39 : i32
    %scan3A_11 = arith.addi %scan3A_9, %scan3A_10 : i32
    %scan3A_12 = arith.constant 1 : i32
    scf.for %scan3A_44 = %scan3A_9 to %scan3A_11 step %scan3A_12  : i32 {
      %broadcast_in_dim3A = arith.constant 0.000000e+00 : f32
      %broadcast_in_dim3A_45 = vector.broadcast %broadcast_in_dim3A : f32 to vector<16xf32>
      %mul3A_46 = arith.constant 16 : i32
      %mul3A_47 = arith.muli %scan3A_44, %mul3A_46 : i32
      %multiple_of3A_48 = tpu.assume_multiple %mul3A_47, 16 : i32
      %swap3A = arith.index_cast %multiple_of3A_48 : i32 to index
      %swap3A_49 = tpu.vector_load %arg10[%swap3A] {strides = array<i32>} : memref<632xf32, #tpu.memory_space<vmem>>, vector<16xf32>,
      %swap3A_50 = vector.shape_cast %swap3A_49 : vector<16xf32> to vector<16xf32>
      %swap3A_51 = vector.shape_cast %broadcast_in_dim3A_45 : vector<16xf32> to vector<16xf32>
      tpu.vector_store %arg10[%swap3A], %swap3A_51 {strides = array<i32>} : memref<632xf32, #tpu.memory_space<vmem>>, vector<16xf32>,
    }
    %scan3A_13 = arith.constant 39 : i32
    %mul3A_14 = arith.constant 632 : i32
    %mul3A_15 = arith.muli %arg1, %mul3A_14 : i32
    %multiple_of3A = tpu.assume_multiple %mul3A_15, 8 : i32
    "tpu.region"() ({
      %run_scoped3A = tpu.sem_alloc : memref<!tpu.dma_semaphore, #tpu.memory_space<semaphore_mem>>
      %dma_start3A = tpu.memref_slice %arg5[%multiple_of3A] : memref<10112xf32, #tpu.memory_space<vmem_shared>> -> memref<632xf32, #tpu.memory_space<vmem_shared>>
      %dma_start3A_44 = tpu.memref_slice %arg5[%multiple_of3A] : memref<10112xf32, #tpu.memory_space<vmem_shared>> -> memref<632xf32, #tpu.memory_space<vmem_shared>>
      tpu.enqueue_dma source(%arg10 : memref<632xf32, #tpu.memory_space<vmem>>) target(%dma_start3A_44 : memref<632xf32, #tpu.memory_space<vmem_shared>>) target_semaphore(%run_scoped3A : memref<!tpu.dma_semaphore, #tpu.memory_space<semaphore_mem>>)
      %dma_wait3A = tpu.memref_slice %arg5[%multiple_of3A] : memref<10112xf32, #tpu.memory_space<vmem_shared>> -> memref<632xf32, #tpu.memory_space<vmem_shared>>
      %dma_wait3A_45 = tpu.memref_slice %arg5[%multiple_of3A] : memref<10112xf32, #tpu.memory_space<vmem_shared>> -> memref<632xf32, #tpu.memory_space<vmem_shared>>
      tpu.wait_dma2 semaphore(%run_scoped3A : memref<!tpu.dma_semaphore, #tpu.memory_space<semaphore_mem>>) src(%arg10 : memref<632xf32, #tpu.memory_space<vmem>>) dst(%dma_wait3A_45 : memref<632xf32, #tpu.memory_space<vmem_shared>>)
      tpu.yield
    }) : () -> ()
    "tpu.region"() ({
      %run_scoped3A = tpu.sem_alloc : memref<!tpu.dma_semaphore, #tpu.memory_space<semaphore_mem>>
      %dma_start3A = tpu.memref_slice %arg6[%multiple_of3A] : memref<10112xf32, #tpu.memory_space<vmem_shared>> -> memref<632xf32, #tpu.memory_space<vmem_shared>>
      %dma_start3A_44 = tpu.memref_slice %arg6[%multiple_of3A] : memref<10112xf32, #tpu.memory_space<vmem_shared>> -> memref<632xf32, #tpu.memory_space<vmem_shared>>
      tpu.enqueue_dma source(%arg10 : memref<632xf32, #tpu.memory_space<vmem>>) target(%dma_start3A_44 : memref<632xf32, #tpu.memory_space<vmem_shared>>) target_semaphore(%run_scoped3A : memref<!tpu.dma_semaphore, #tpu.memory_space<semaphore_mem>>)
      %dma_wait3A = tpu.memref_slice %arg6[%multiple_of3A] : memref<10112xf32, #tpu.memory_space<vmem_shared>> -> memref<632xf32, #tpu.memory_space<vmem_shared>>
      %dma_wait3A_45 = tpu.memref_slice %arg6[%multiple_of3A] : memref<10112xf32, #tpu.memory_space<vmem_shared>> -> memref<632xf32, #tpu.memory_space<vmem_shared>>
      tpu.wait_dma2 semaphore(%run_scoped3A : memref<!tpu.dma_semaphore, #tpu.memory_space<semaphore_mem>>) src(%arg10 : memref<632xf32, #tpu.memory_space<vmem>>) dst(%dma_wait3A_45 : memref<632xf32, #tpu.memory_space<vmem_shared>>)
      tpu.yield
    }) : () -> ()
    %barrier3A = arith.constant 0 : index
    tpu.barrier barrier_id(%barrier3A)
    %scan3A_16 = arith.constant 0 : i32
    %scan3A_17 = arith.constant 0 : i32
    %scan3A_18 = arith.constant 125 : i32
    %scan3A_19 = arith.addi %scan3A_17, %scan3A_18 : i32
    %scan3A_20 = arith.constant 1 : i32
    scf.for %scan3A_44 = %scan3A_17 to %scan3A_19 step %scan3A_20  : i32 {
      %mul3A_45 = arith.constant 80 : i32
      %mul3A_46 = arith.muli %scan3A_44, %mul3A_45 : i32
      %add3A_47 = arith.addi %mul3A_2, %mul3A_46 : i32
      "tpu.region"() ({
        %run_scoped3A = tpu.sem_alloc : memref<!tpu.dma_semaphore, #tpu.memory_space<semaphore_mem>>
        %dma_start3A = tpu.memref_slice %arg2[%add3A_47] : memref<320000xi32, #tpu.memory_space<hbm>> -> memref<80xi32, #tpu.memory_space<hbm>>
        %dma_start3A_51 = tpu.memref_slice %arg2[%add3A_47] : memref<320000xi32, #tpu.memory_space<hbm>> -> memref<80xi32, #tpu.memory_space<hbm>>
        tpu.enqueue_dma source(%dma_start3A_51 : memref<80xi32, #tpu.memory_space<hbm>>) target(%arg7 : memref<80xi32, #tpu.memory_space<vmem>>) target_semaphore(%run_scoped3A : memref<!tpu.dma_semaphore, #tpu.memory_space<semaphore_mem>>)
        %dma_wait3A = tpu.memref_slice %arg2[%add3A_47] : memref<320000xi32, #tpu.memory_space<hbm>> -> memref<80xi32, #tpu.memory_space<hbm>>
        %dma_wait3A_52 = tpu.memref_slice %arg2[%add3A_47] : memref<320000xi32, #tpu.memory_space<hbm>> -> memref<80xi32, #tpu.memory_space<hbm>>
        tpu.wait_dma2 semaphore(%run_scoped3A : memref<!tpu.dma_semaphore, #tpu.memory_space<semaphore_mem>>) src(%dma_wait3A_52 : memref<80xi32, #tpu.memory_space<hbm>>) dst(%arg7 : memref<80xi32, #tpu.memory_space<vmem>>)
        tpu.yield
      }) : () -> ()
      %mul3A_48 = arith.constant 80 : i32
      %mul3A_49 = arith.muli %scan3A_44, %mul3A_48 : i32
      %add3A_50 = arith.addi %mul3A_2, %mul3A_49 : i32
      "tpu.region"() ({
        %run_scoped3A = tpu.sem_alloc : memref<!tpu.dma_semaphore, #tpu.memory_space<semaphore_mem>>
        %dma_start3A = tpu.memref_slice %arg3[%add3A_50] : memref<320000xi32, #tpu.memory_space<hbm>> -> memref<80xi32, #tpu.memory_space<hbm>>
        %dma_start3A_51 = tpu.memref_slice %arg3[%add3A_50] : memref<320000xi32, #tpu.memory_space<hbm>> -> memref<80xi32, #tpu.memory_space<hbm>>
        tpu.enqueue_dma source(%dma_start3A_51 : memref<80xi32, #tpu.memory_space<hbm>>) target(%arg8 : memref<80xi32, #tpu.memory_space<vmem>>) target_semaphore(%run_scoped3A : memref<!tpu.dma_semaphore, #tpu.memory_space<semaphore_mem>>)
        %dma_wait3A = tpu.memref_slice %arg3[%add3A_50] : memref<320000xi32, #tpu.memory_space<hbm>> -> memref<80xi32, #tpu.memory_space<hbm>>
        %dma_wait3A_52 = tpu.memref_slice %arg3[%add3A_50] : memref<320000xi32, #tpu.memory_space<hbm>> -> memref<80xi32, #tpu.memory_space<hbm>>
        tpu.wait_dma2 semaphore(%run_scoped3A : memref<!tpu.dma_semaphore, #tpu.memory_space<semaphore_mem>>) src(%dma_wait3A_52 : memref<80xi32, #tpu.memory_space<hbm>>) dst(%arg8 : memref<80xi32, #tpu.memory_space<vmem>>)
        tpu.yield
      }) : () -> ()
      "tpu.region"() ({
        %run_scoped3A = tpu.sem_alloc : memref<!tpu.dma_semaphore, #tpu.memory_space<semaphore_mem>>
        %dma_start3A = arith.constant 0 : i32
        %dma_start3A_51 = tpu.memref_slice %arg5[%dma_start3A] : memref<10112xf32, #tpu.memory_space<vmem_shared>> -> memref<10112xf32, #tpu.memory_space<vmem_shared>>
        tpu.enqueue_indirect_dma source(%arg9 : memref<80xf32, #tpu.memory_space<vmem>>) target(%dma_start3A_51 : memref<10112xf32, #tpu.memory_space<vmem_shared>>) offsets(%arg7 : memref<80xi32, #tpu.memory_space<vmem>>) semaphore(%run_scoped3A : memref<!tpu.dma_semaphore, #tpu.memory_space<semaphore_mem>>) {add = true}
        %dma_wait3A = arith.constant 0 : i32
        %dma_wait3A_52 = tpu.memref_slice %arg5[%dma_wait3A] : memref<10112xf32, #tpu.memory_space<vmem_shared>> -> memref<10112xf32, #tpu.memory_space<vmem_shared>>
        tpu.wait_indirect_dma semaphore(%run_scoped3A : memref<!tpu.dma_semaphore, #tpu.memory_space<semaphore_mem>>) src(%arg9 : memref<80xf32, #tpu.memory_space<vmem>>) dst(%dma_wait3A_52 : memref<10112xf32, #tpu.memory_space<vmem_shared>>)
        tpu.yield
      }) : () -> ()
      "tpu.region"() ({
        %run_scoped3A = tpu.sem_alloc : memref<!tpu.dma_semaphore, #tpu.memory_space<semaphore_mem>>
        %dma_start3A = arith.constant 0 : i32
        %dma_start3A_51 = tpu.memref_slice %arg6[%dma_start3A] : memref<10112xf32, #tpu.memory_space<vmem_shared>> -> memref<10112xf32, #tpu.memory_space<vmem_shared>>
        tpu.enqueue_indirect_dma source(%arg9 : memref<80xf32, #tpu.memory_space<vmem>>) target(%dma_start3A_51 : memref<10112xf32, #tpu.memory_space<vmem_shared>>) offsets(%arg8 : memref<80xi32, #tpu.memory_space<vmem>>) semaphore(%run_scoped3A : memref<!tpu.dma_semaphore, #tpu.memory_space<semaphore_mem>>) {add = true}
        %dma_wait3A = arith.constant 0 : i32
        %dma_wait3A_52 = tpu.memref_slice %arg6[%dma_wait3A] : memref<10112xf32, #tpu.memory_space<vmem_shared>> -> memref<10112xf32, #tpu.memory_space<vmem_shared>>
        tpu.wait_indirect_dma semaphore(%run_scoped3A : memref<!tpu.dma_semaphore, #tpu.memory_space<semaphore_mem>>) src(%arg9 : memref<80xf32, #tpu.memory_space<vmem>>) dst(%dma_wait3A_52 : memref<10112xf32, #tpu.memory_space<vmem_shared>>)
        tpu.yield
      }) : () -> ()
    }
    %scan3A_21 = arith.constant 125 : i32
    %barrier3A_22 = arith.constant 0 : index
    tpu.barrier barrier_id(%barrier3A_22)
    %mul3A_23 = arith.constant 632 : i32
    %mul3A_24 = arith.muli %arg1, %mul3A_23 : i32
    %multiple_of3A_25 = tpu.assume_multiple %mul3A_24, 8 : i32
    %mul3A_26 = arith.constant 2 : i32
    %mul3A_27 = arith.muli %arg0, %mul3A_26 : i32
    %mul3A_28 = arith.constant 10112 : i32
    %mul3A_29 = arith.muli %mul3A_27, %mul3A_28 : i32
    %mul3A_30 = arith.constant 632 : i32
    %mul3A_31 = arith.muli %arg1, %mul3A_30 : i32
    %add3A_32 = arith.addi %mul3A_29, %mul3A_31 : i32
    %multiple_of3A_33 = tpu.assume_multiple %add3A_32, 8 : i32
    %mul3A_34 = arith.constant 2 : i32
    %mul3A_35 = arith.muli %arg0, %mul3A_34 : i32
    %mul3A_36 = arith.constant 10112 : i32
    %mul3A_37 = arith.muli %mul3A_35, %mul3A_36 : i32
    %add3A_38 = arith.constant 10112 : i32
    %add3A_39 = arith.addi %mul3A_37, %add3A_38 : i32
    %mul3A_40 = arith.constant 632 : i32
    %mul3A_41 = arith.muli %arg1, %mul3A_40 : i32
    %add3A_42 = arith.addi %add3A_39, %mul3A_41 : i32
    %multiple_of3A_43 = tpu.assume_multiple %add3A_42, 8 : i32
    "tpu.region"() ({
      %run_scoped3A = tpu.sem_alloc : memref<!tpu.dma_semaphore, #tpu.memory_space<semaphore_mem>>
      %dma_start3A = tpu.memref_slice %arg5[%multiple_of3A_25] : memref<10112xf32, #tpu.memory_space<vmem_shared>> -> memref<632xf32, #tpu.memory_space<vmem_shared>>
      %dma_start3A_44 = tpu.memref_slice %arg5[%multiple_of3A_25] : memref<10112xf32, #tpu.memory_space<vmem_shared>> -> memref<632xf32, #tpu.memory_space<vmem_shared>>
      tpu.enqueue_dma source(%dma_start3A_44 : memref<632xf32, #tpu.memory_space<vmem_shared>>) target(%arg10 : memref<632xf32, #tpu.memory_space<vmem>>) target_semaphore(%run_scoped3A : memref<!tpu.dma_semaphore, #tpu.memory_space<semaphore_mem>>)
      %dma_wait3A = tpu.memref_slice %arg5[%multiple_of3A_25] : memref<10112xf32, #tpu.memory_space<vmem_shared>> -> memref<632xf32, #tpu.memory_space<vmem_shared>>
      %dma_wait3A_45 = tpu.memref_slice %arg5[%multiple_of3A_25] : memref<10112xf32, #tpu.memory_space<vmem_shared>> -> memref<632xf32, #tpu.memory_space<vmem_shared>>
      tpu.wait_dma2 semaphore(%run_scoped3A : memref<!tpu.dma_semaphore, #tpu.memory_space<semaphore_mem>>) src(%dma_wait3A_45 : memref<632xf32, #tpu.memory_space<vmem_shared>>) dst(%arg10 : memref<632xf32, #tpu.memory_space<vmem>>)
      tpu.yield
    }) : () -> ()
    "tpu.region"() ({
      %run_scoped3A = tpu.sem_alloc : memref<!tpu.dma_semaphore, #tpu.memory_space<semaphore_mem>>
      %dma_start3A = tpu.memref_slice %arg4[%multiple_of3A_33] : memref<40448xf32, #tpu.memory_space<hbm>> -> memref<632xf32, #tpu.memory_space<hbm>>
      %dma_start3A_44 = tpu.memref_slice %arg4[%multiple_of3A_33] : memref<40448xf32, #tpu.memory_space<hbm>> -> memref<632xf32, #tpu.memory_space<hbm>>
      tpu.enqueue_dma source(%arg10 : memref<632xf32, #tpu.memory_space<vmem>>) target(%dma_start3A_44 : memref<632xf32, #tpu.memory_space<hbm>>) target_semaphore(%run_scoped3A : memref<!tpu.dma_semaphore, #tpu.memory_space<semaphore_mem>>)
      %dma_wait3A = tpu.memref_slice %arg4[%multiple_of3A_33] : memref<40448xf32, #tpu.memory_space<hbm>> -> memref<632xf32, #tpu.memory_space<hbm>>
      %dma_wait3A_45 = tpu.memref_slice %arg4[%multiple_of3A_33] : memref<40448xf32, #tpu.memory_space<hbm>> -> memref<632xf32, #tpu.memory_space<hbm>>
      tpu.wait_dma2 semaphore(%run_scoped3A : memref<!tpu.dma_semaphore, #tpu.memory_space<semaphore_mem>>) src(%arg10 : memref<632xf32, #tpu.memory_space<vmem>>) dst(%dma_wait3A_45 : memref<632xf32, #tpu.memory_space<hbm>>)
      tpu.yield
    }) : () -> ()
    "tpu.region"() ({
      %run_scoped3A = tpu.sem_alloc : memref<!tpu.dma_semaphore, #tpu.memory_space<semaphore_mem>>
      %dma_start3A = tpu.memref_slice %arg6[%multiple_of3A_25] : memref<10112xf32, #tpu.memory_space<vmem_shared>> -> memref<632xf32, #tpu.memory_space<vmem_shared>>
      %dma_start3A_44 = tpu.memref_slice %arg6[%multiple_of3A_25] : memref<10112xf32, #tpu.memory_space<vmem_shared>> -> memref<632xf32, #tpu.memory_space<vmem_shared>>
      tpu.enqueue_dma source(%dma_start3A_44 : memref<632xf32, #tpu.memory_space<vmem_shared>>) target(%arg10 : memref<632xf32, #tpu.memory_space<vmem>>) target_semaphore(%run_scoped3A : memref<!tpu.dma_semaphore, #tpu.memory_space<semaphore_mem>>)
      %dma_wait3A = tpu.memref_slice %arg6[%multiple_of3A_25] : memref<10112xf32, #tpu.memory_space<vmem_shared>> -> memref<632xf32, #tpu.memory_space<vmem_shared>>
      %dma_wait3A_45 = tpu.memref_slice %arg6[%multiple_of3A_25] : memref<10112xf32, #tpu.memory_space<vmem_shared>> -> memref<632xf32, #tpu.memory_space<vmem_shared>>
      tpu.wait_dma2 semaphore(%run_scoped3A : memref<!tpu.dma_semaphore, #tpu.memory_space<semaphore_mem>>) src(%dma_wait3A_45 : memref<632xf32, #tpu.memory_space<vmem_shared>>) dst(%arg10 : memref<632xf32, #tpu.memory_space<vmem>>)
      tpu.yield
    }) : () -> ()
    "tpu.region"() ({
      %run_scoped3A = tpu.sem_alloc : memref<!tpu.dma_semaphore, #tpu.memory_space<semaphore_mem>>
      %dma_start3A = tpu.memref_slice %arg4[%multiple_of3A_43] : memref<40448xf32, #tpu.memory_space<hbm>> -> memref<632xf32, #tpu.memory_space<hbm>>
      %dma_start3A_44 = tpu.memref_slice %arg4[%multiple_of3A_43] : memref<40448xf32, #tpu.memory_space<hbm>> -> memref<632xf32, #tpu.memory_space<hbm>>
      tpu.enqueue_dma source(%arg10 : memref<632xf32, #tpu.memory_space<vmem>>) target(%dma_start3A_44 : memref<632xf32, #tpu.memory_space<hbm>>) target_semaphore(%run_scoped3A : memref<!tpu.dma_semaphore, #tpu.memory_space<semaphore_mem>>)
      %dma_wait3A = tpu.memref_slice %arg4[%multiple_of3A_43] : memref<40448xf32, #tpu.memory_space<hbm>> -> memref<632xf32, #tpu.memory_space<hbm>>
      %dma_wait3A_45 = tpu.memref_slice %arg4[%multiple_of3A_43] : memref<40448xf32, #tpu.memory_space<hbm>> -> memref<632xf32, #tpu.memory_space<hbm>>
      tpu.wait_dma2 semaphore(%run_scoped3A : memref<!tpu.dma_semaphore, #tpu.memory_space<semaphore_mem>>) src(%arg10 : memref<632xf32, #tpu.memory_space<vmem>>) dst(%dma_wait3A_45 : memref<632xf32, #tpu.memory_space<hbm>>)
      tpu.yield
    }) : () -> ()
    return
  }
}

#map = affine_map<(d0, d1) -> (0)>
#map1 = affine_map<(d0, d1) -> (0, 0)>
#map2 = affine_map<(d0, d1) -> (0, 0, 0)>
module attributes {stable_mosaic.version = 14 : i64} {
  func.func @body(%arg0: i32, %arg1: i32, %arg2: memref<320000xi32, #tpu.memory_space<hbm>>, %arg3: memref<320000xi32, #tpu.memory_space<hbm>>, %arg4: memref<10000x128xf32, #tpu.memory_space<hbm>>, %arg5: memref<632x128xf32, #tpu.memory_space<hbm>>, %arg6: memref<2x10112x128xf32, #tpu.memory_space<hbm>>, %arg7: memref<10112x128xf32, #tpu.memory_space<vmem_shared>>, %arg8: memref<80xi32, #tpu.memory_space<vmem>>, %arg9: memref<80xi32, #tpu.memory_space<vmem>>, %arg10: memref<80x128xf32, #tpu.memory_space<vmem>>, %arg11: memref<!tpu.dma_semaphore, #tpu.memory_space<semaphore_mem>>) attributes {dimension_semantics = [#tpu.dimension_semantics<core_parallel>, #tpu.dimension_semantics<subcore_parallel>], iteration_bounds = array<i64: 2, 16>, scalar_prefetch = 0 : i64, scratch_operands = 5 : i64, tpu.core_type = #tpu.core_type<sc_vector_subcore>, window_params = [{transform_indices = #map}, {transform_indices = #map}, {transform_indices = #map1}, {transform_indices = #map1}, {transform_indices = #map2}]} {
    %mul3A = arith.constant 2 : i32
    %mul3A_0 = arith.muli %arg1, %mul3A : i32
    %add3A = arith.addi %mul3A_0, %arg0 : i32
    %mul3A_1 = arith.constant 10000 : i32
    %mul3A_2 = arith.muli %add3A, %mul3A_1 : i32
    %mul3A_3 = arith.constant 632 : i32
    %mul3A_4 = arith.muli %arg1, %mul3A_3 : i32
    "tpu.region"() ({
      %run_scoped3A = tpu.sem_alloc : memref<!tpu.dma_semaphore, #tpu.memory_space<semaphore_mem>>
      %dma_start3A = arith.constant 0 : i32
      %dma_start3A_15 = tpu.memref_slice %arg7[%mul3A_4, %dma_start3A] : memref<10112x128xf32, #tpu.memory_space<vmem_shared>> -> memref<632x128xf32, #tpu.memory_space<vmem_shared>>
      tpu.enqueue_dma source(%arg5 : memref<632x128xf32, #tpu.memory_space<hbm>>) target(%dma_start3A_15 : memref<632x128xf32, #tpu.memory_space<vmem_shared>>) target_semaphore(%run_scoped3A : memref<!tpu.dma_semaphore, #tpu.memory_space<semaphore_mem>>)
      %dma_wait3A = arith.constant 0 : i32
      %dma_wait3A_16 = tpu.memref_slice %arg7[%mul3A_4, %dma_wait3A] : memref<10112x128xf32, #tpu.memory_space<vmem_shared>> -> memref<632x128xf32, #tpu.memory_space<vmem_shared>>
      tpu.wait_dma2 semaphore(%run_scoped3A : memref<!tpu.dma_semaphore, #tpu.memory_space<semaphore_mem>>) src(%arg5 : memref<632x128xf32, #tpu.memory_space<hbm>>) dst(%dma_wait3A_16 : memref<632x128xf32, #tpu.memory_space<vmem_shared>>)
      tpu.yield
    }) : () -> ()
    %barrier3A = arith.constant 0 : index
    tpu.barrier barrier_id(%barrier3A)
    %scan3A = arith.constant 0 : i32
    %scan3A_5 = arith.constant 0 : i32
    %scan3A_6 = arith.constant 125 : i32
    %scan3A_7 = arith.addi %scan3A_5, %scan3A_6 : i32
    %scan3A_8 = arith.constant 1 : i32
    scf.for %scan3A_15 = %scan3A_5 to %scan3A_7 step %scan3A_8  : i32 {
      %mul3A_16 = arith.constant 80 : i32
      %mul3A_17 = arith.muli %scan3A_15, %mul3A_16 : i32
      %add3A_18 = arith.addi %mul3A_2, %mul3A_17 : i32
      "tpu.region"() ({
        %run_scoped3A = tpu.sem_alloc : memref<!tpu.dma_semaphore, #tpu.memory_space<semaphore_mem>>
        %dma_start3A_26 = tpu.memref_slice %arg2[%add3A_18] : memref<320000xi32, #tpu.memory_space<hbm>> -> memref<80xi32, #tpu.memory_space<hbm>>
        %dma_start3A_27 = tpu.memref_slice %arg2[%add3A_18] : memref<320000xi32, #tpu.memory_space<hbm>> -> memref<80xi32, #tpu.memory_space<hbm>>
        tpu.enqueue_dma source(%dma_start3A_27 : memref<80xi32, #tpu.memory_space<hbm>>) target(%arg8 : memref<80xi32, #tpu.memory_space<vmem>>) target_semaphore(%run_scoped3A : memref<!tpu.dma_semaphore, #tpu.memory_space<semaphore_mem>>)
        %dma_wait3A_28 = tpu.memref_slice %arg2[%add3A_18] : memref<320000xi32, #tpu.memory_space<hbm>> -> memref<80xi32, #tpu.memory_space<hbm>>
        %dma_wait3A_29 = tpu.memref_slice %arg2[%add3A_18] : memref<320000xi32, #tpu.memory_space<hbm>> -> memref<80xi32, #tpu.memory_space<hbm>>
        tpu.wait_dma2 semaphore(%run_scoped3A : memref<!tpu.dma_semaphore, #tpu.memory_space<semaphore_mem>>) src(%dma_wait3A_29 : memref<80xi32, #tpu.memory_space<hbm>>) dst(%arg8 : memref<80xi32, #tpu.memory_space<vmem>>)
        tpu.yield
      }) : () -> ()
      %mul3A_19 = arith.constant 80 : i32
      %mul3A_20 = arith.muli %scan3A_15, %mul3A_19 : i32
      %add3A_21 = arith.addi %mul3A_2, %mul3A_20 : i32
      "tpu.region"() ({
        %run_scoped3A = tpu.sem_alloc : memref<!tpu.dma_semaphore, #tpu.memory_space<semaphore_mem>>
        %dma_start3A_26 = tpu.memref_slice %arg3[%add3A_21] : memref<320000xi32, #tpu.memory_space<hbm>> -> memref<80xi32, #tpu.memory_space<hbm>>
        %dma_start3A_27 = tpu.memref_slice %arg3[%add3A_21] : memref<320000xi32, #tpu.memory_space<hbm>> -> memref<80xi32, #tpu.memory_space<hbm>>
        tpu.enqueue_dma source(%dma_start3A_27 : memref<80xi32, #tpu.memory_space<hbm>>) target(%arg9 : memref<80xi32, #tpu.memory_space<vmem>>) target_semaphore(%run_scoped3A : memref<!tpu.dma_semaphore, #tpu.memory_space<semaphore_mem>>)
        %dma_wait3A_28 = tpu.memref_slice %arg3[%add3A_21] : memref<320000xi32, #tpu.memory_space<hbm>> -> memref<80xi32, #tpu.memory_space<hbm>>
        %dma_wait3A_29 = tpu.memref_slice %arg3[%add3A_21] : memref<320000xi32, #tpu.memory_space<hbm>> -> memref<80xi32, #tpu.memory_space<hbm>>
        tpu.wait_dma2 semaphore(%run_scoped3A : memref<!tpu.dma_semaphore, #tpu.memory_space<semaphore_mem>>) src(%dma_wait3A_29 : memref<80xi32, #tpu.memory_space<hbm>>) dst(%arg9 : memref<80xi32, #tpu.memory_space<vmem>>)
        tpu.yield
      }) : () -> ()
      %dma_start3A = arith.constant 0 : i32
      %dma_start3A_22 = arith.constant 0 : i32
      %dma_start3A_23 = tpu.memref_slice %arg4[%dma_start3A, %dma_start3A_22] : memref<10000x128xf32, #tpu.memory_space<hbm>> -> memref<10000x128xf32, #tpu.memory_space<hbm>>
      tpu.enqueue_indirect_dma source(%dma_start3A_23 : memref<10000x128xf32, #tpu.memory_space<hbm>>) target(%arg10 : memref<80x128xf32, #tpu.memory_space<vmem>>) offsets(%arg8 : memref<80xi32, #tpu.memory_space<vmem>>) semaphore(%arg11 : memref<!tpu.dma_semaphore, #tpu.memory_space<semaphore_mem>>)
      %dma_wait3A = arith.constant 0 : i32
      %dma_wait3A_24 = arith.constant 0 : i32
      %dma_wait3A_25 = tpu.memref_slice %arg4[%dma_wait3A, %dma_wait3A_24] : memref<10000x128xf32, #tpu.memory_space<hbm>> -> memref<10000x128xf32, #tpu.memory_space<hbm>>
      tpu.wait_indirect_dma semaphore(%arg11 : memref<!tpu.dma_semaphore, #tpu.memory_space<semaphore_mem>>) src(%dma_wait3A_25 : memref<10000x128xf32, #tpu.memory_space<hbm>>) dst(%arg10 : memref<80x128xf32, #tpu.memory_space<vmem>>)
      "tpu.region"() ({
        %run_scoped3A = tpu.sem_alloc : memref<!tpu.dma_semaphore, #tpu.memory_space<semaphore_mem>>
        %dma_start3A_26 = arith.constant 0 : i32
        %dma_start3A_27 = arith.constant 0 : i32
        %dma_start3A_28 = tpu.memref_slice %arg7[%dma_start3A_26, %dma_start3A_27] : memref<10112x128xf32, #tpu.memory_space<vmem_shared>> -> memref<10112x128xf32, #tpu.memory_space<vmem_shared>>
        tpu.enqueue_indirect_dma source(%arg10 : memref<80x128xf32, #tpu.memory_space<vmem>>) target(%dma_start3A_28 : memref<10112x128xf32, #tpu.memory_space<vmem_shared>>) offsets(%arg9 : memref<80xi32, #tpu.memory_space<vmem>>) semaphore(%run_scoped3A : memref<!tpu.dma_semaphore, #tpu.memory_space<semaphore_mem>>) {add = true}
        %dma_wait3A_29 = arith.constant 0 : i32
        %dma_wait3A_30 = arith.constant 0 : i32
        %dma_wait3A_31 = tpu.memref_slice %arg7[%dma_wait3A_29, %dma_wait3A_30] : memref<10112x128xf32, #tpu.memory_space<vmem_shared>> -> memref<10112x128xf32, #tpu.memory_space<vmem_shared>>
        tpu.wait_indirect_dma semaphore(%run_scoped3A : memref<!tpu.dma_semaphore, #tpu.memory_space<semaphore_mem>>) src(%arg10 : memref<80x128xf32, #tpu.memory_space<vmem>>) dst(%dma_wait3A_31 : memref<10112x128xf32, #tpu.memory_space<vmem_shared>>)
        tpu.yield
      }) : () -> ()
    }
    %scan3A_9 = arith.constant 125 : i32
    %barrier3A_10 = arith.constant 0 : index
    tpu.barrier barrier_id(%barrier3A_10)
    %mul3A_11 = arith.constant 632 : i32
    %mul3A_12 = arith.muli %arg1, %mul3A_11 : i32
    %mul3A_13 = arith.constant 632 : i32
    %mul3A_14 = arith.muli %arg1, %mul3A_13 : i32
    "tpu.region"() ({
      %run_scoped3A = tpu.sem_alloc : memref<!tpu.dma_semaphore, #tpu.memory_space<semaphore_mem>>
      %dma_start3A = arith.constant 0 : i32
      %dma_start3A_15 = tpu.memref_slice %arg6[%arg0, %mul3A_14, %dma_start3A] : memref<2x10112x128xf32, #tpu.memory_space<hbm>> -> memref<1x632x128xf32, #tpu.memory_space<hbm>>
      %dma_start3A_16 = tpu.memref_squeeze %dma_start3A_15 : memref<1x632x128xf32, #tpu.memory_space<hbm>> -> memref<632x128xf32, #tpu.memory_space<hbm>>
      %dma_start3A_17 = arith.constant 0 : i32
      %dma_start3A_18 = tpu.memref_slice %arg7[%mul3A_12, %dma_start3A_17] : memref<10112x128xf32, #tpu.memory_space<vmem_shared>> -> memref<632x128xf32, #tpu.memory_space<vmem_shared>>
      tpu.enqueue_dma source(%dma_start3A_18 : memref<632x128xf32, #tpu.memory_space<vmem_shared>>) target(%dma_start3A_16 : memref<632x128xf32, #tpu.memory_space<hbm>>) target_semaphore(%run_scoped3A : memref<!tpu.dma_semaphore, #tpu.memory_space<semaphore_mem>>)
      %dma_wait3A = arith.constant 0 : i32
      %dma_wait3A_19 = tpu.memref_slice %arg6[%arg0, %mul3A_14, %dma_wait3A] : memref<2x10112x128xf32, #tpu.memory_space<hbm>> -> memref<1x632x128xf32, #tpu.memory_space<hbm>>
      %dma_wait3A_20 = tpu.memref_squeeze %dma_wait3A_19 : memref<1x632x128xf32, #tpu.memory_space<hbm>> -> memref<632x128xf32, #tpu.memory_space<hbm>>
      %dma_wait3A_21 = arith.constant 0 : i32
      %dma_wait3A_22 = tpu.memref_slice %arg7[%mul3A_12, %dma_wait3A_21] : memref<10112x128xf32, #tpu.memory_space<vmem_shared>> -> memref<632x128xf32, #tpu.memory_space<vmem_shared>>
      tpu.wait_dma2 semaphore(%run_scoped3A : memref<!tpu.dma_semaphore, #tpu.memory_space<semaphore_mem>>) src(%dma_wait3A_22 : memref<632x128xf32, #tpu.memory_space<vmem_shared>>) dst(%dma_wait3A_20 : memref<632x128xf32, #tpu.memory_space<hbm>>)
      tpu.yield
    }) : () -> ()
    return
  }
}

module attributes {stable_mosaic.version = 14 : i64} {
  func.func @body(%arg0: memref<10000x128xf32, #tpu.memory_space<vmem>>, %arg1: memref<128x128xf32, #tpu.memory_space<vmem>>, %arg2: memref<1x128xf32, #tpu.memory_space<vmem>>, %arg3: memref<10000x4xf32, #tpu.memory_space<vmem>>, %arg4: memref<10000x128xf32, #tpu.memory_space<vmem>>, %arg5: memref<10000x128xf32, #tpu.memory_space<vmem>>, %arg6: memref<10000x2xf32, #tpu.memory_space<vmem>>) attributes {dimension_semantics = [], scalar_prefetch = 0 : i64, scratch_operands = 0 : i64, tpu.core_type = #tpu.core_type<tc>} {
    %get3A = arith.constant 0 : index
    %get3A_0 = arith.constant 0 : index
    %get3A_1 = vector.load %arg3[%get3A, %get3A_0] : memref<10000x4xf32, #tpu.memory_space<vmem>>, vector<10000x1xf32>
    %get3A_2 = arith.constant 0 : index
    %get3A_3 = arith.constant 1 : index
    %get3A_4 = vector.load %arg3[%get3A_2, %get3A_3] : memref<10000x4xf32, #tpu.memory_space<vmem>>, vector<10000x1xf32>
    %add3A = arith.addf %get3A_1, %get3A_4 : vector<10000x1xf32>
    %get3A_5 = arith.constant 0 : index
    %get3A_6 = arith.constant 2 : index
    %get3A_7 = vector.load %arg3[%get3A_5, %get3A_6] : memref<10000x4xf32, #tpu.memory_space<vmem>>, vector<10000x1xf32>
    %get3A_8 = arith.constant 0 : index
    %get3A_9 = arith.constant 3 : index
    %get3A_10 = vector.load %arg3[%get3A_8, %get3A_9] : memref<10000x4xf32, #tpu.memory_space<vmem>>, vector<10000x1xf32>
    %add3A_11 = arith.addf %get3A_7, %get3A_10 : vector<10000x1xf32>
    %gt3A = arith.constant 0.000000e+00 : f32
    %gt3A_12 = vector.broadcast %gt3A : f32 to vector<10000x1xf32>
    %gt3A_13 = arith.cmpf ogt, %add3A, %gt3A_12 : vector<10000x1xf32>
    %rsqrt3A = math.rsqrt %add3A : vector<10000x1xf32>
    %jit3A = arith.constant 0.000000e+00 : f32
    %broadcast_in_dim3A = vector.broadcast %jit3A : f32 to vector<10000x1xf32>
    %select_n3A = arith.select %gt3A_13, %rsqrt3A, %broadcast_in_dim3A : vector<10000x1xi1>, vector<10000x1xf32>
    %gt3A_14 = arith.constant 0.000000e+00 : f32
    %gt3A_15 = vector.broadcast %gt3A_14 : f32 to vector<10000x1xf32>
    %gt3A_16 = arith.cmpf ogt, %add3A_11, %gt3A_15 : vector<10000x1xf32>
    %rsqrt3A_17 = math.rsqrt %add3A_11 : vector<10000x1xf32>
    %jit3A_18 = arith.constant 0.000000e+00 : f32
    %broadcast_in_dim3A_19 = vector.broadcast %jit3A_18 : f32 to vector<10000x1xf32>
    %select_n3A_20 = arith.select %gt3A_16, %rsqrt3A_17, %broadcast_in_dim3A_19 : vector<10000x1xi1>, vector<10000x1xf32>
    %get3A_21 = arith.constant 0 : index
    %get3A_22 = arith.constant 0 : index
    %get3A_23 = vector.load %arg0[%get3A_21, %get3A_22] : memref<10000x128xf32, #tpu.memory_space<vmem>>, vector<10000x128xf32>
    %get3A_24 = arith.constant 0 : index
    %get3A_25 = arith.constant 0 : index
    %get3A_26 = vector.load %arg1[%get3A_24, %get3A_25] : memref<128x128xf32, #tpu.memory_space<vmem>>, vector<128x128xf32>
    %dot_general3A = arith.constant dense<0.000000e+00> : vector<10000x128xf32>
    %dot_general3A_27 = tpu.matmul %get3A_23, %get3A_26, %dot_general3A {dimension_numbers = #tpu.dot_dimension_numbers<[1], [0], [0], [1], [0, 0, 1, 1], [], []>, transpose_lhs_hint = false} : vector<10000x128xf32>, vector<128x128xf32>, vector<10000x128xf32> -> vector<10000x128xf32>
    %get3A_28 = arith.constant 0 : index
    %get3A_29 = arith.constant 0 : index
    %get3A_30 = vector.load %arg2[%get3A_28, %get3A_29] : memref<1x128xf32, #tpu.memory_space<vmem>>, vector<1x128xf32>
    %add3A_31 = vector.broadcast %get3A_30 : vector<1x128xf32> to vector<10000x128xf32>
    %add3A_32 = arith.addf %dot_general3A_27, %add3A_31 : vector<10000x128xf32>
    %swap3A = arith.constant 0 : index
    %swap3A_33 = arith.constant 0 : index
    %swap3A_34 = vector.load %arg4[%swap3A, %swap3A_33] : memref<10000x128xf32, #tpu.memory_space<vmem>>, vector<10000x128xf32>
    tpu.vector_store %arg4[%swap3A, %swap3A_33], %add3A_32 {strides = array<i32>} : memref<10000x128xf32, #tpu.memory_space<vmem>>, vector<10000x128xf32>,
    %mul3A = vector.broadcast %select_n3A : vector<10000x1xf32> to vector<10000x128xf32>
    %mul3A_35 = arith.mulf %add3A_32, %mul3A : vector<10000x128xf32>
    %swap3A_36 = arith.constant 0 : index
    %swap3A_37 = arith.constant 0 : index
    %swap3A_38 = vector.load %arg5[%swap3A_36, %swap3A_37] : memref<10000x128xf32, #tpu.memory_space<vmem>>, vector<10000x128xf32>
    tpu.vector_store %arg5[%swap3A_36, %swap3A_37], %mul3A_35 {strides = array<i32>} : memref<10000x128xf32, #tpu.memory_space<vmem>>, vector<10000x128xf32>,
    %concatenate3A = tpu.concatenate %select_n3A_20, %select_n3A in 1 : vector<10000x1xf32>, vector<10000x1xf32> -> vector<10000x2xf32>
    %swap3A_39 = arith.constant 0 : index
    %swap3A_40 = arith.constant 0 : index
    %swap3A_41 = vector.load %arg6[%swap3A_39, %swap3A_40] : memref<10000x2xf32, #tpu.memory_space<vmem>>, vector<10000x2xf32>
    tpu.vector_store %arg6[%swap3A_39, %swap3A_40], %concatenate3A {strides = array<i32>} : memref<10000x2xf32, #tpu.memory_space<vmem>>, vector<10000x2xf32>,
    return
  }
}

module attributes {stable_mosaic.version = 14 : i64} {
  func.func @body(%arg0: memref<2x10112x128xf32, #tpu.memory_space<vmem>>, %arg1: memref<10000x128xf32, #tpu.memory_space<vmem>>, %arg2: memref<10000x3xf32, #tpu.memory_space<vmem>>, %arg3: memref<128x128xf32, #tpu.memory_space<vmem>>, %arg4: memref<1x128xf32, #tpu.memory_space<vmem>>, %arg5: memref<1x128xf32, #tpu.memory_space<vmem>>, %arg6: memref<1x128xf32, #tpu.memory_space<vmem>>, %arg7: memref<10000x128xf32, #tpu.memory_space<vmem>>, %arg8: memref<10000x128xf32, #tpu.memory_space<vmem>>) attributes {dimension_semantics = [], scalar_prefetch = 0 : i64, scratch_operands = 0 : i64, tpu.core_type = #tpu.core_type<tc>} {
    %get3A = arith.constant 0 : index
    %get3A_0 = arith.constant 0 : index
    %get3A_1 = vector.load %arg2[%get3A, %get3A_0] : memref<10000x3xf32, #tpu.memory_space<vmem>>, vector<10000x1xf32>
    %get3A_2 = arith.constant 0 : index
    %get3A_3 = arith.constant 1 : index
    %get3A_4 = vector.load %arg2[%get3A_2, %get3A_3] : memref<10000x3xf32, #tpu.memory_space<vmem>>, vector<10000x1xf32>
    %get3A_5 = arith.constant 0 : index
    %get3A_6 = arith.constant 2 : index
    %get3A_7 = vector.load %arg2[%get3A_5, %get3A_6] : memref<10000x3xf32, #tpu.memory_space<vmem>>, vector<10000x1xf32>
    %get3A_8 = arith.constant 0 : index
    %get3A_9 = arith.constant 0 : index
    %get3A_10 = arith.constant 0 : index
    %get3A_11 = vector.load %arg0[%get3A_8, %get3A_9, %get3A_10] : memref<2x10112x128xf32, #tpu.memory_space<vmem>>, vector<1x10112x128xf32>
    %get3A_12 = vector.shape_cast %get3A_11 : vector<1x10112x128xf32> to vector<10112x128xf32>
    %get3A_13 = arith.constant 1 : index
    %get3A_14 = arith.constant 0 : index
    %get3A_15 = arith.constant 0 : index
    %get3A_16 = vector.load %arg0[%get3A_13, %get3A_14, %get3A_15] : memref<2x10112x128xf32, #tpu.memory_space<vmem>>, vector<1x10112x128xf32>
    %get3A_17 = vector.shape_cast %get3A_16 : vector<1x10112x128xf32> to vector<10112x128xf32>
    %add3A = arith.addf %get3A_12, %get3A_17 : vector<10112x128xf32>
    %slice3A = vector.extract_strided_slice %add3A {offsets = [0, 0], sizes = [10000, 128], strides = [1, 1]} : vector<10112x128xf32> to vector<10000x128xf32>
    %mul3A = vector.broadcast %get3A_1 : vector<10000x1xf32> to vector<10000x128xf32>
    %mul3A_18 = arith.mulf %slice3A, %mul3A : vector<10000x128xf32>
    %get3A_19 = arith.constant 0 : index
    %get3A_20 = arith.constant 0 : index
    %get3A_21 = vector.load %arg3[%get3A_19, %get3A_20] : memref<128x128xf32, #tpu.memory_space<vmem>>, vector<128x128xf32>
    %dot_general3A = arith.constant dense<0.000000e+00> : vector<10000x128xf32>
    %dot_general3A_22 = tpu.matmul %mul3A_18, %get3A_21, %dot_general3A {dimension_numbers = #tpu.dot_dimension_numbers<[1], [0], [0], [1], [0, 0, 1, 1], [], []>, transpose_lhs_hint = false} : vector<10000x128xf32>, vector<128x128xf32>, vector<10000x128xf32> -> vector<10000x128xf32>
    %get3A_23 = arith.constant 0 : index
    %get3A_24 = arith.constant 0 : index
    %get3A_25 = vector.load %arg4[%get3A_23, %get3A_24] : memref<1x128xf32, #tpu.memory_space<vmem>>, vector<1x128xf32>
    %add3A_26 = vector.broadcast %get3A_25 : vector<1x128xf32> to vector<10000x128xf32>
    %add3A_27 = arith.addf %dot_general3A_22, %add3A_26 : vector<10000x128xf32>
    %mul3A_28 = vector.broadcast %get3A_7 : vector<10000x1xf32> to vector<10000x128xf32>
    %mul3A_29 = arith.mulf %add3A_27, %mul3A_28 : vector<10000x128xf32>
    %reduce_sum3A = arith.constant dense<0.000000e+00> : vector<128xf32>
    %reduce_sum3A_30 = vector.multi_reduction <add>, %mul3A_29, %reduce_sum3A [0] : vector<10000x128xf32> to vector<128xf32>
    %broadcast_in_dim3A = vector.shape_cast %reduce_sum3A_30 : vector<128xf32> to vector<1x128xf32>
    %div3A = arith.constant 1.000000e+04 : f32
    %div3A_31 = vector.broadcast %div3A : f32 to vector<1x128xf32>
    %div3A_32 = arith.divf %broadcast_in_dim3A, %div3A_31 : vector<1x128xf32>
    %sub3A = vector.broadcast %div3A_32 : vector<1x128xf32> to vector<10000x128xf32>
    %sub3A_33 = arith.subf %mul3A_29, %sub3A : vector<10000x128xf32>
    %sub3A_34 = vector.broadcast %div3A_32 : vector<1x128xf32> to vector<10000x128xf32>
    %sub3A_35 = arith.subf %mul3A_29, %sub3A_34 : vector<10000x128xf32>
    %mul3A_36 = arith.mulf %sub3A_33, %sub3A_35 : vector<10000x128xf32>
    %reduce_sum3A_37 = arith.constant dense<0.000000e+00> : vector<128xf32>
    %reduce_sum3A_38 = vector.multi_reduction <add>, %mul3A_36, %reduce_sum3A_37 [0] : vector<10000x128xf32> to vector<128xf32>
    %broadcast_in_dim3A_39 = vector.shape_cast %reduce_sum3A_38 : vector<128xf32> to vector<1x128xf32>
    %div3A_40 = arith.constant 1.000000e+04 : f32
    %div3A_41 = vector.broadcast %div3A_40 : f32 to vector<1x128xf32>
    %div3A_42 = arith.divf %broadcast_in_dim3A_39, %div3A_41 : vector<1x128xf32>
    %sub3A_43 = vector.broadcast %div3A_32 : vector<1x128xf32> to vector<10000x128xf32>
    %sub3A_44 = arith.subf %mul3A_29, %sub3A_43 : vector<10000x128xf32>
    %add3A_45 = arith.constant 9.99999974E-6 : f32
    %add3A_46 = vector.broadcast %add3A_45 : f32 to vector<1x128xf32>
    %add3A_47 = arith.addf %div3A_42, %add3A_46 : vector<1x128xf32>
    %rsqrt3A = math.rsqrt %add3A_47 : vector<1x128xf32>
    %mul3A_48 = vector.broadcast %rsqrt3A : vector<1x128xf32> to vector<10000x128xf32>
    %mul3A_49 = arith.mulf %sub3A_44, %mul3A_48 : vector<10000x128xf32>
    %get3A_50 = arith.constant 0 : index
    %get3A_51 = arith.constant 0 : index
    %get3A_52 = vector.load %arg5[%get3A_50, %get3A_51] : memref<1x128xf32, #tpu.memory_space<vmem>>, vector<1x128xf32>
    %mul3A_53 = vector.broadcast %get3A_52 : vector<1x128xf32> to vector<10000x128xf32>
    %mul3A_54 = arith.mulf %mul3A_49, %mul3A_53 : vector<10000x128xf32>
    %get3A_55 = arith.constant 0 : index
    %get3A_56 = arith.constant 0 : index
    %get3A_57 = vector.load %arg6[%get3A_55, %get3A_56] : memref<1x128xf32, #tpu.memory_space<vmem>>, vector<1x128xf32>
    %add3A_58 = vector.broadcast %get3A_57 : vector<1x128xf32> to vector<10000x128xf32>
    %add3A_59 = arith.addf %mul3A_54, %add3A_58 : vector<10000x128xf32>
    %get3A_60 = arith.constant 0 : index
    %get3A_61 = arith.constant 0 : index
    %get3A_62 = vector.load %arg1[%get3A_60, %get3A_61] : memref<10000x128xf32, #tpu.memory_space<vmem>>, vector<10000x128xf32>
    %max3A = arith.constant 0.000000e+00 : f32
    %max3A_63 = vector.broadcast %max3A : f32 to vector<10000x128xf32>
    %max3A_64 = arith.maximumf %add3A_59, %max3A_63 : vector<10000x128xf32>
    %add3A_65 = arith.addf %get3A_62, %max3A_64 : vector<10000x128xf32>
    %swap3A = arith.constant 0 : index
    %swap3A_66 = arith.constant 0 : index
    %swap3A_67 = vector.load %arg7[%swap3A, %swap3A_66] : memref<10000x128xf32, #tpu.memory_space<vmem>>, vector<10000x128xf32>
    tpu.vector_store %arg7[%swap3A, %swap3A_66], %add3A_65 {strides = array<i32>} : memref<10000x128xf32, #tpu.memory_space<vmem>>, vector<10000x128xf32>,
    %mul3A_68 = vector.broadcast %get3A_4 : vector<10000x1xf32> to vector<10000x128xf32>
    %mul3A_69 = arith.mulf %add3A_65, %mul3A_68 : vector<10000x128xf32>
    %swap3A_70 = arith.constant 0 : index
    %swap3A_71 = arith.constant 0 : index
    %swap3A_72 = vector.load %arg8[%swap3A_70, %swap3A_71] : memref<10000x128xf32, #tpu.memory_space<vmem>>, vector<10000x128xf32>
    tpu.vector_store %arg8[%swap3A_70, %swap3A_71], %mul3A_69 {strides = array<i32>} : memref<10000x128xf32, #tpu.memory_space<vmem>>, vector<10000x128xf32>,
    return
  }
}

module attributes {stable_mosaic.version = 14 : i64} {
  func.func @body(%arg0: memref<2x10112x128xf32, #tpu.memory_space<vmem>>, %arg1: memref<10000x128xf32, #tpu.memory_space<vmem>>, %arg2: memref<10000x3xf32, #tpu.memory_space<vmem>>, %arg3: memref<128x128xf32, #tpu.memory_space<vmem>>, %arg4: memref<1x128xf32, #tpu.memory_space<vmem>>, %arg5: memref<1x128xf32, #tpu.memory_space<vmem>>, %arg6: memref<1x128xf32, #tpu.memory_space<vmem>>, %arg7: memref<128x10xf32, #tpu.memory_space<vmem>>, %arg8: memref<1x10xf32, #tpu.memory_space<vmem>>) attributes {dimension_semantics = [], scalar_prefetch = 0 : i64, scratch_operands = 0 : i64, tpu.core_type = #tpu.core_type<tc>} {
    %get3A = arith.constant 0 : index
    %get3A_0 = arith.constant 0 : index
    %get3A_1 = vector.load %arg2[%get3A, %get3A_0] : memref<10000x3xf32, #tpu.memory_space<vmem>>, vector<10000x1xf32>
    %get3A_2 = arith.constant 0 : index
    %get3A_3 = arith.constant 2 : index
    %get3A_4 = vector.load %arg2[%get3A_2, %get3A_3] : memref<10000x3xf32, #tpu.memory_space<vmem>>, vector<10000x1xf32>
    %get3A_5 = arith.constant 0 : index
    %get3A_6 = arith.constant 0 : index
    %get3A_7 = arith.constant 0 : index
    %get3A_8 = vector.load %arg0[%get3A_5, %get3A_6, %get3A_7] : memref<2x10112x128xf32, #tpu.memory_space<vmem>>, vector<1x10112x128xf32>
    %get3A_9 = vector.shape_cast %get3A_8 : vector<1x10112x128xf32> to vector<10112x128xf32>
    %get3A_10 = arith.constant 1 : index
    %get3A_11 = arith.constant 0 : index
    %get3A_12 = arith.constant 0 : index
    %get3A_13 = vector.load %arg0[%get3A_10, %get3A_11, %get3A_12] : memref<2x10112x128xf32, #tpu.memory_space<vmem>>, vector<1x10112x128xf32>
    %get3A_14 = vector.shape_cast %get3A_13 : vector<1x10112x128xf32> to vector<10112x128xf32>
    %add3A = arith.addf %get3A_9, %get3A_14 : vector<10112x128xf32>
    %slice3A = vector.extract_strided_slice %add3A {offsets = [0, 0], sizes = [10000, 128], strides = [1, 1]} : vector<10112x128xf32> to vector<10000x128xf32>
    %mul3A = vector.broadcast %get3A_1 : vector<10000x1xf32> to vector<10000x128xf32>
    %mul3A_15 = arith.mulf %slice3A, %mul3A : vector<10000x128xf32>
    %get3A_16 = arith.constant 0 : index
    %get3A_17 = arith.constant 0 : index
    %get3A_18 = vector.load %arg3[%get3A_16, %get3A_17] : memref<128x128xf32, #tpu.memory_space<vmem>>, vector<128x128xf32>
    %dot_general3A = arith.constant dense<0.000000e+00> : vector<10000x128xf32>
    %dot_general3A_19 = tpu.matmul %mul3A_15, %get3A_18, %dot_general3A {dimension_numbers = #tpu.dot_dimension_numbers<[1], [0], [0], [1], [0, 0, 1, 1], [], []>, transpose_lhs_hint = false} : vector<10000x128xf32>, vector<128x128xf32>, vector<10000x128xf32> -> vector<10000x128xf32>
    %get3A_20 = arith.constant 0 : index
    %get3A_21 = arith.constant 0 : index
    %get3A_22 = vector.load %arg4[%get3A_20, %get3A_21] : memref<1x128xf32, #tpu.memory_space<vmem>>, vector<1x128xf32>
    %add3A_23 = vector.broadcast %get3A_22 : vector<1x128xf32> to vector<10000x128xf32>
    %add3A_24 = arith.addf %dot_general3A_19, %add3A_23 : vector<10000x128xf32>
    %mul3A_25 = vector.broadcast %get3A_4 : vector<10000x1xf32> to vector<10000x128xf32>
    %mul3A_26 = arith.mulf %add3A_24, %mul3A_25 : vector<10000x128xf32>
    %reduce_sum3A = arith.constant dense<0.000000e+00> : vector<128xf32>
    %reduce_sum3A_27 = vector.multi_reduction <add>, %mul3A_26, %reduce_sum3A [0] : vector<10000x128xf32> to vector<128xf32>
    %broadcast_in_dim3A = vector.shape_cast %reduce_sum3A_27 : vector<128xf32> to vector<1x128xf32>
    %div3A = arith.constant 1.000000e+04 : f32
    %div3A_28 = vector.broadcast %div3A : f32 to vector<1x128xf32>
    %div3A_29 = arith.divf %broadcast_in_dim3A, %div3A_28 : vector<1x128xf32>
    %sub3A = vector.broadcast %div3A_29 : vector<1x128xf32> to vector<10000x128xf32>
    %sub3A_30 = arith.subf %mul3A_26, %sub3A : vector<10000x128xf32>
    %sub3A_31 = vector.broadcast %div3A_29 : vector<1x128xf32> to vector<10000x128xf32>
    %sub3A_32 = arith.subf %mul3A_26, %sub3A_31 : vector<10000x128xf32>
    %mul3A_33 = arith.mulf %sub3A_30, %sub3A_32 : vector<10000x128xf32>
    %reduce_sum3A_34 = arith.constant dense<0.000000e+00> : vector<128xf32>
    %reduce_sum3A_35 = vector.multi_reduction <add>, %mul3A_33, %reduce_sum3A_34 [0] : vector<10000x128xf32> to vector<128xf32>
    %broadcast_in_dim3A_36 = vector.shape_cast %reduce_sum3A_35 : vector<128xf32> to vector<1x128xf32>
    %div3A_37 = arith.constant 1.000000e+04 : f32
    %div3A_38 = vector.broadcast %div3A_37 : f32 to vector<1x128xf32>
    %div3A_39 = arith.divf %broadcast_in_dim3A_36, %div3A_38 : vector<1x128xf32>
    %sub3A_40 = vector.broadcast %div3A_29 : vector<1x128xf32> to vector<10000x128xf32>
    %sub3A_41 = arith.subf %mul3A_26, %sub3A_40 : vector<10000x128xf32>
    %add3A_42 = arith.constant 9.99999974E-6 : f32
    %add3A_43 = vector.broadcast %add3A_42 : f32 to vector<1x128xf32>
    %add3A_44 = arith.addf %div3A_39, %add3A_43 : vector<1x128xf32>
    %rsqrt3A = math.rsqrt %add3A_44 : vector<1x128xf32>
    %mul3A_45 = vector.broadcast %rsqrt3A : vector<1x128xf32> to vector<10000x128xf32>
    %mul3A_46 = arith.mulf %sub3A_41, %mul3A_45 : vector<10000x128xf32>
    %get3A_47 = arith.constant 0 : index
    %get3A_48 = arith.constant 0 : index
    %get3A_49 = vector.load %arg5[%get3A_47, %get3A_48] : memref<1x128xf32, #tpu.memory_space<vmem>>, vector<1x128xf32>
    %mul3A_50 = vector.broadcast %get3A_49 : vector<1x128xf32> to vector<10000x128xf32>
    %mul3A_51 = arith.mulf %mul3A_46, %mul3A_50 : vector<10000x128xf32>
    %get3A_52 = arith.constant 0 : index
    %get3A_53 = arith.constant 0 : index
    %get3A_54 = vector.load %arg6[%get3A_52, %get3A_53] : memref<1x128xf32, #tpu.memory_space<vmem>>, vector<1x128xf32>
    %add3A_55 = vector.broadcast %get3A_54 : vector<1x128xf32> to vector<10000x128xf32>
    %add3A_56 = arith.addf %mul3A_51, %add3A_55 : vector<10000x128xf32>
    %get3A_57 = arith.constant 0 : index
    %get3A_58 = arith.constant 0 : index
    %get3A_59 = vector.load %arg1[%get3A_57, %get3A_58] : memref<10000x128xf32, #tpu.memory_space<vmem>>, vector<10000x128xf32>
    %max3A = arith.constant 0.000000e+00 : f32
    %max3A_60 = vector.broadcast %max3A : f32 to vector<10000x128xf32>
    %max3A_61 = arith.maximumf %add3A_56, %max3A_60 : vector<10000x128xf32>
    %add3A_62 = arith.addf %get3A_59, %max3A_61 : vector<10000x128xf32>
    %reduce_sum3A_63 = arith.constant dense<0.000000e+00> : vector<128xf32>
    %reduce_sum3A_64 = vector.multi_reduction <add>, %add3A_62, %reduce_sum3A_63 [0] : vector<10000x128xf32> to vector<128xf32>
    %broadcast_in_dim3A_65 = vector.shape_cast %reduce_sum3A_64 : vector<128xf32> to vector<1x128xf32>
    %div3A_66 = arith.constant 1.000000e+04 : f32
    %div3A_67 = vector.broadcast %div3A_66 : f32 to vector<1x128xf32>
    %div3A_68 = arith.divf %broadcast_in_dim3A_65, %div3A_67 : vector<1x128xf32>
    %get3A_69 = arith.constant 0 : index
    %get3A_70 = arith.constant 0 : index
    %get3A_71 = vector.load %arg7[%get3A_69, %get3A_70] : memref<128x10xf32, #tpu.memory_space<vmem>>, vector<128x10xf32>
    %dot_general3A_72 = arith.constant dense<0.000000e+00> : vector<1x10xf32>
    %dot_general3A_73 = tpu.matmul %div3A_68, %get3A_71, %dot_general3A_72 {dimension_numbers = #tpu.dot_dimension_numbers<[1], [0], [0], [1], [0, 0, 1, 1], [], []>, transpose_lhs_hint = false} : vector<1x128xf32>, vector<128x10xf32>, vector<1x10xf32> -> vector<1x10xf32>
    %swap3A = arith.constant 0 : index
    %swap3A_74 = arith.constant 0 : index
    %swap3A_75 = vector.load %arg8[%swap3A, %swap3A_74] : memref<1x10xf32, #tpu.memory_space<vmem>>, vector<1x10xf32>
    tpu.vector_store %arg8[%swap3A, %swap3A_74], %dot_general3A_73 {strides = array<i32>} : memref<1x10xf32, #tpu.memory_space<vmem>>, vector<1x10xf32>,
    return
  }
}

</mosaic_0001>

<sc_bundles>
// kernel: kernel.11.cloned.1.call-start
scs
__scs_entry_jumppad:
0x0: {  	(pc) =	sbr.rel $0x88, $3  }
0x1: {  	(tag) =	ssettag $0x0;
	lr =	simm.s32 $0x1  }
0x2: {  	[smem:$0x3F93] =	sst lr;
	_ =	strace $0xD0000000  }
0x3: {  	_ = 	snop  }
0x4: {  	_ = 	snop  }
0x5: {  	_ = 	snop  }
0x6: {  	_ = 	snop  }
0x7: {  	_ = 	snop  }
__scs_overlays_trampoline_lowered:
0x8: {  	[smem:$0x3FA2] =	sst s0  }
0x9: {  	[smem:$0x3FA3] =	sst s1  }
0xa: {  	[smem:$0x3FA4] =	sst s2  }
0xb: {  	[smem:$0x3FA5] =	sst s3  }
0xc: {  	[smem:$0x3FA6] =	sst s4  }
0xd: {  	[smem:$0x3FA7] =	sst s5  }
0xe: {  	[smem:$0x3FA8] =	sst s6  }
0xf: {  	[smem:$0x3FA9] =	sst s7  }
0x10: {  	[smem:$0x3FAA] =	sst s8  }
0x11: {  	[smem:$0x3FAB] =	sst s9;
	s0 =	simm.s32 @!p0 $0x0  }
0x12: {  	s1 =	sld [smem:$0x3F91];
	s0 =	simm.s32 @p0 $0x1  }
0x13: {  	[smem:$0x3FAC] =	sst s0;
	s0 =	simm.s32 @!p1 $0x0  }
0x14: {  	s2 =	sld [smem:$0x3F90];
	s0 =	simm.s32 @p1 $0x1  }
0x15: {  	[smem:$0x3FAD] =	sst s0;
	s0 =	simm.s32 @!p2 $0x0  }
0x16: {  	s3 =	sld [smem:$0x3FDB];
	s0 =	simm.s32 @p2 $0x1  }
0x17: {  	s4 =	simm.s32 $0x1BF5;
	[smem:$0x3FAF] =	sst s0  }
0x18: {  	s0 =	sld [smem:$0x3F92];
	_ =	swait.ge [sflag:s4], $0x0  }
0x19: {  	s7 =	sld [smem:$0x3F93]  }
0x1a: {  	s8 =	sadd.s32 $0xFFFFE003, lr  }
0x1b: {  	s9 =	sadd.s32 $0xFFFFFEF7, lr;
	s5 =	simm.s32 $0xFFFFFFFF;
	p2 =	slt.u32 s8, $0xFFFFF086  }
0x1c: {  	p1 =	slt.u32 s9, $0xF7A;
	s5 =	simm.s32 @!p2 $0x0  }
0x1d: {  	s5 =	simm.s32 @p1 $0x1;
	p0 =	seq.s32 s7, s2  }
0x1e: {  	s7 =	smul.u32 @!p0 $0xF7A, s2;
	p2 =	seq.s32 @!p0 s5, $0x0  }
0x1f: {  	s9 =	smul.u32 $0xF7A, s1;
	s8 =	simm.s32 @!p0 $0x1BF5;
	p2 =	por !p2, p0  }
0x20: {  	[sflag:s8] =	ssyncset.s32 @!p0 $0xFFFFF086;
	s6 =	sadd.s32 @!p0 s3, s7;
	s7 =	simm.s32 @!p0 $0x108  }
0x21: {  	s3 =	sadd.s32 s3, s9;
	s6 =	sadd.s32 @!p0 $0x88, s6;
	s7 =	simm.s32 @p2 $0x1082  }
0x22: {  	[simem:s7], [sflag:s8] =	dma.local @!p0 [hbm:s6], $0xF7A  }
0x23: {  	s9 =	sor.u32 $0xD0000000, s2;
	s6 =	simm.s32 $0x108;
	_ =	swait.ge @!p0 [sflag:s8], $0x0  }
0x24: {  	s3 =	sadd.s32 $0x88, s3;
	s6 =	simm.s32 @!p1 $0x1082;
	[sflag:s4] =	ssyncset.s32 $0xFFFFF086  }
0x25: {  	[simem:s6], [sflag:s4] =	dma.local [hbm:s3], $0xF7A  }
0x26: {  	[smem:$0x3F93] =	sst s1;
	(tag) =	ssettag s2;
	_ =	strace s9  }
0x27: {  	s1 =	sld [smem:$0x3FA3]  }
0x28: {  	s2 =	sld [smem:$0x3FA4]  }
0x29: {  	s4 =	sld [smem:$0x3FA6]  }
0x2a: {  	p0 =	seq.s32 s5, $0x0;
	s5 =	sld [smem:$0x3FA7]  }
0x2b: {  	s6 =	sld [smem:$0x3FA8]  }
0x2c: {  	s7 =	sld [smem:$0x3FA9]  }
0x2d: {  	s3 =	simm.s32 $0x108;
	s8 =	sld [smem:$0x3FAA]  }
0x2e: {  	s3 =	simm.s32 @!p0 $0x1082;
	s9 =	sld [smem:$0x3FAB]  }
0x2f: {  	lr =	sadd.s32 s0, s3;
	s0 =	sld [smem:$0x3FA2]  }
0x30: {  	s3 =	sld [smem:$0x3FA5]  }
0x31: {  	[smem:$0x3FAE] =	sst s10  }
0x32: {  	s10 =	sld [smem:$0x3FAC];
	_ =	sdelay $0x3  }
0x33: {  	p0 =	seq.s32 s10, $0x1;
	s10 =	sld [smem:$0x3FAE];
	_ =	sdelay $0x3  }
0x34: {  	[smem:$0x3FAE] =	sst s10  }
0x35: {  	s10 =	sld [smem:$0x3FAD];
	_ =	sdelay $0x3  }
0x36: {  	p1 =	seq.s32 s10, $0x1;
	s10 =	sld [smem:$0x3FAE];
	_ =	sdelay $0x3  }
0x37: {  	[smem:$0x3FAE] =	sst s10  }
0x38: {  	s10 =	sld [smem:$0x3FAF]  }
0x39: {  	_ = 	snop;
	(pc) =	sbr.ind lr, $3  }
0x3a: {  	_ = 	snop  }
0x3b: {  	_ = 	snop  }
0x3c: {  	p2 =	seq.s32 s10, $0x1;
	s10 =	sld [smem:$0x3FAE]  }
0x3d: {  	_ =	shalt  }
0x3e: {  	_ =	shalt  }
0x3f: {  	_ =	shalt  }
0x40: {  	_ =	shalt  }
0x41: {  	_ =	shalt  }
0x42: {  	_ =	shalt  }
0x43: {  	_ =	shalt  }
0x44: {  	_ =	shalt  }
0x45: {  	_ =	shalt  }
0x46: {  	_ =	shalt  }
0x47: {  	_ =	shalt  }
0x48: {  	_ =	shalt  }
0x49: {  	_ =	shalt  }
0x4a: {  	_ =	shalt  }
0x4b: {  	_ =	shalt  }
0x4c: {  	_ =	shalt  }
0x4d: {  	_ =	shalt  }
0x4e: {  	_ =	shalt  }
0x4f: {  	_ =	shalt  }
0x50: {  	_ =	shalt  }
0x51: {  	_ =	shalt  }
0x52: {  	_ =	shalt  }
0x53: {  	_ =	shalt  }
0x54: {  	_ =	shalt  }
0x55: {  	_ =	shalt  }
0x56: {  	_ =	shalt  }
0x57: {  	_ =	shalt  }
0x58: {  	_ =	shalt  }
0x59: {  	_ =	shalt  }
0x5a: {  	_ =	shalt  }
0x5b: {  	_ =	shalt  }
0x5c: {  	_ =	shalt  }
0x5d: {  	_ =	shalt  }
0x5e: {  	_ =	shalt  }
0x5f: {  	_ =	shalt  }
0x60: {  	_ =	shalt  }
0x61: {  	_ =	shalt  }
0x62: {  	_ =	shalt  }
0x63: {  	_ =	shalt  }
0x64: {  	_ =	shalt  }
0x65: {  	_ =	shalt  }
0x66: {  	_ =	shalt  }
0x67: {  	_ =	shalt  }
0x68: {  	_ =	shalt  }
0x69: {  	_ =	shalt  }
0x6a: {  	_ =	shalt  }
0x6b: {  	_ =	shalt  }
0x6c: {  	_ =	shalt  }
0x6d: {  	_ =	shalt  }
0x6e: {  	_ =	shalt  }
0x6f: {  	_ =	shalt  }
0x70: {  	_ =	shalt  }
0x71: {  	_ =	shalt  }
0x72: {  	_ =	shalt  }
0x73: {  	_ =	shalt  }
0x74: {  	_ =	shalt  }
0x75: {  	_ =	shalt  }
0x76: {  	_ =	shalt  }
0x77: {  	_ =	shalt  }
0x78: {  	_ =	shalt  }
0x79: {  	_ =	shalt  }
0x7a: {  	_ =	shalt  }
0x7b: {  	_ =	shalt  }
0x7c: {  	_ =	shalt  }
0x7d: {  	_ =	shalt  }
0x7e: {  	_ =	shalt  }
0x7f: {  	_ =	shalt  }
0x80: {  	_ =	shalt  }
0x81: {  	_ =	shalt  }
0x82: {  	_ =	shalt  }
0x83: {  	_ =	shalt  }
0x84: {  	_ =	shalt  }
0x85: {  	_ =	shalt  }
0x86: {  	_ =	shalt  }
0x87: {  	_ =	shalt  }
.Lfunc_end0:
.L_simem_size_0:
called_computation.1_lowered:
.L_overlay_start_0:
0x88: {  	s2 =	sld [smem:$0x3FD9]  }
0x89: {  	s3 =	sld [smem:$0x3FFE];
	_ =	sdelay $0x1  }
0x8a: {  	s1 =	srdreg.scid  }
0x8b: {  	s0 =	sand.u32 $0x1, s1  }
0x8c: {  	s16 =	sshll.u32 s0, $0xA;
	s2 =	sadd.s32 s3, s2  }
0x8d: {  	s2 =	sadd.s32 s2, s16  }
0x8e: {  	[smem:$0x3FBA] =	sst s2  }
0x8f: {  	_ = 	snop  }
0x90: {  	(tm) =	ssettm $0x1  }
0x91: {  	s17 =	sld [smem:$0x3FFB];
	_ =	sdelay $0x3  }
0x92: {  	_ =	strace s17  }
0x93: {  	s2 =	sld [smem:$0x3FFC];
	_ =	sdelay $0x3  }
0x94: {  	_ =	strace s2  }
0x95: {  	s2 =	sld [smem:$0x3FFD];
	_ =	sdelay $0x3  }
0x96: {  	_ =	strace s2  }
0x97: {  	_ =	strace $0x8FFFFFFF  }
0x98: {  	s18 =	sld [smem:$0x3FDB];
	_ =	sdelay $0x1  }
0x99: {  	s19 =	simm.s32 $_scs_section_size  }
0x9a: {  	s4 =	simm.s32 $_size__tile_overlayer_lowered;
	s5 =	simm.s32 $_tile_overlayer_lowered  }
0x9b: {  	s22 =	simm.s32 $0x1BFF;
	s21 =	sshll.u32 s5, $0x1;
	s2 =	sadd.s32 s19, s18  }
0x9c: {  	s6 =	simm.s32 $0x0;
	s20 =	sshll.u32 s4, $0x1;
	s4 =	sadd.s32 s21, s2  }
0x9d: {  	[timem:s6], [sflag:s22] =	dma.local [hbm:s4], s20  }
0x9e: {  	_ =	swait.ge [sflag:s22], s20  }
0x9f: {  	s3 =	ssub.s32 $0x0, s20;
	[sflag:s22] =	ssyncset.done $0x0  }
0xa0: {  	[sflag:s22] =	ssyncadd.s32 s3;
	_ =	sdelay $0x1  }
0xa1: {  	s23 =	simm.s32 $0x1B8B  }
0xa2: {  	_ =	swait.ge [sflag:s23], $0x1  }
0xa3: {  	[sflag:s23] =	ssyncset.done $0x0  }
0xa4: {  	s25 =	simm.s32 $0x1B8E;
	s24 =	sld [smem:$0x3FFE];
	[sflag:s23] =	ssyncadd.s32 $0xFFFFFFFF  }
0xa5: {  	s26 =	simm.s32 $execute0_lowered;
	[smem:$0x3FD2] =	sst s25  }
0xa6: {  	s4 =	sshll.u32 s26, $0x1;
	_ =	strace $0x80000049;
	[dreg:$0x1] =	wrdreg $0xFFFFFFFF  }
0xa7: {  	s28 =	simm.s32 $_size_execute0_lowered;
	s2 =	sadd.s32 s2, s4;
	[dreg:$0x0] =	wrdreg $0x0  }
0xa8: {  	s4 =	sshll.u32 s28, $0x1;
	[dreg:$0x2] =	wrdreg s2  }
0xa9: {  	[dreg:$0x3] =	wrdreg s4  }
0xaa: {  	[dreg:$0x4] =	wrdreg $0xC0  }
0xab: {  	_ =	task [dreg:s6], $0x5FFFF  }
0xac: {  	[dreg:$0x1] =	wrdreg $0xFFFFFFFF  }
0xad: {  	[dreg:$0x0] =	wrdreg $0x60  }
0xae: {  	[dreg:$0x2] =	wrdreg s24  }
0xaf: {  	[dreg:$0x3] =	wrdreg $0x0  }
0xb0: {  	[dreg:$0x4] =	wrdreg $0x9  }
0xb1: {  	_ =	task.clear_ibuf [dreg:s6], $0x5FFFF;
	_ =	strace $0x90000049  }
0xb2: {  	s29 =	simm.s32 $0x9;
	_ =	strace $0x8000004B  }
0xb3: {  	_ =	swait.ge [sflag:s29], $0x1  }
0xb4: {  	[sflag:s29] =	ssyncadd.s32 $0xFFFFFFFF  }
0xb5: {  	_ =	strace $0x9000004B  }
0xb6: {  	_ =	sfence  }
0xb7: {  	s30 =	sld [smem:$0x0];
	_ =	sdelay $0x2  }
0xb8: {  	s31 =	sshll.u32 s1, $0xD;
	s1 =	sshrl.u32 s1, $0x2  }
0xb9: {  	s3 =	sand.u32 $0x4000, s31;
	s1 =	sadd.s32 s1, s30  }
0xba: {  	s0 =	sor.u32 s3, s0;
	s1 =	sshll.u32 s1, $0x11  }
0xbb: {  	s0 =	sor.u32 s1, s0  }
0xbc: {  	s0 =	sadd.s32 $0x8F2B, s0  }
0xbd: {  	[sflag:s0] =	ssyncadd.remote.s32 $0x1  }
0xbe: {  	_ =	sfence.sel $0xFFFF  }
0xbf: {  	[dreg:$0x0] =	wrdreg $0xFFFFFFFF;
	(pc) =	sbr.abs _section_cstart, $3  }
0xc0: {  	[dreg:$0x1] =	wrdreg $0xFFFFFFFF  }
0xc1: {  	_ =	task.clear_ibuf [dreg:s6], $0x2FFFF;
	_ =	strace $0x9FFFFFFF  }
0xc2: {  	(tm) =	ssettm $0x7FFFFFFF  }
0xc3: {  	_ =	shalt  }
tec
execute0_lowered:
.L_overlay_start_1:
0x0: {  	(tag) =	ssettag $0x1  }
0x1: {  	s1 =	srdreg.scid;
	s6 =	rddreg [dreg:$0x0]  }
0x2: {  	s0 =	stileid.u32;
	s2 =	rddreg [dreg:$0x1];
	s3 =	simm.s32 $0x0  }
0x3: {  	s14 =	simm.s32 $0x13C80;
	s15 =	simm.s32 $0x50;
	s4 =	smul.u32 $0x4E20, s0  }
0x4: {  	s16 =	simm.s32 $0x13D00;
	s17 =	simm.s32 $0x1;
	s30 =	smul.u32 $0x13C00, s0  }
0x5: {  	s7 =	sand.u32 $0x1, s1;
	s1 =	rddreg [dreg:$0x2];
	s9 =	smul.u32 $0x4F000, s0  }
0x6: {  	s18 =	simm.s32 $0x0;
	[smem:$0x7FF] =	sst s3;
	s5 =	smul.u32 $0x2710, s7  }
0x7: {  	s11 =	sshll.u32 s0, $0x6;
	s8 =	smul.u32 $0x13C000, s7;
	s31 =	ssub.s32 $0x2, s7  }
0x8: {  	_ =	strace $0x8000004A;
	s7 =	sshrl.u32 s31, $0x1;
	s9 =	sshrl.u32 s9, $0x2  }
0x9: {  	s4 =	sadd.s32 s5, s4;
	s5 =	sadd.s32 s30, s8;
	s12 =	ssub.s32 s31, s7  }
0xa: {  	s13 =	sadd.s32 s9, s2;
	s4 =	sshrl.u32 s4, $0x3;
	s8 =	sshrl.u32 s5, $0x3  }
0xb: {  	s5 =	sadd.s32 $0x3DE00, s6;
	s10 =	sadd.s32 s4, s6;
	s4 =	sadd.s32 $0x16C00, s6  }
0xc: {  	s8 =	sadd.s32 s8, s6;
	s6 =	sor.u32 $0x1C02, s11;
	s11 =	sshrl.u32 s13, $0x3  }
0xd: {  	s13 =	simm.s32 $0x13C00;
	s7 =	sadd.s32 $0x40600, s8;
	s8 =	smax.u32 s12, $0x1  }
0xe: {  	s9 =	sadd.s32 $0x3000, s10;
	s10 =	sadd.s32 $0xCE00, s10;
	s12 =	simm.s32 $0x2  }
.LBB2_1:
0xf: {  	[spmem:s11], [sflag:s6] =	dma.local [hbm:s5], $0x2780  }
0x10: {  	_ =	swait.ge [sflag:s12], $0x2780  }
0x11: {  	[sflag:s12] =	ssyncset.done $0x0  }
0x12: {  	[sflag:s12] =	ssyncadd.s32 $0xFFFFD880  }
0x13: {  	s19 =	sadd.s32 $0x0, s10;
	[bflag:$0x0] =	sbarrier.arrive $0xFFFF  }
0x14: {  	[tilespmem:s13], [sflag:$0x2] =	stream.linear.gather [hbm4b:s19+s3], $0x50, $0x38;
	[tilespmem:$0x16500] =	vst v63  }
0x15: {  	_ =	swait.ge [sflag:s12], $0x50  }
0x16: {  	[sflag:s12] =	ssyncset.done $0x0  }
0x17: {  	s31 =	sadd.s32 $0x0, s9;
	[sflag:s12] =	ssyncadd.s32 $0xFFFFFFB0  }
0x18: {  	[tilespmem:s14], [sflag:$0x2] =	stream.linear.gather [hbm4b:s31+s3], $0x50, $0x38;
	[tilespmem:$0x16500] =	vst v63  }
0x19: {  	_ =	swait.ge [sflag:s12], $0x50  }
0x1a: {  	[sflag:s12] =	ssyncset.done $0x0  }
0x1b: {  	[sflag:s12] =	ssyncadd.s32 $0xFFFFFFB0  }
0x1c: {  	[tilespmem:s16], [sflag:$0x1] =	stream.indirect.gather [hbm4b:s4+s15], $0x80, s13, s15, $0xb8;
	[tilespmem:$0x16500] =	vst v63  }
0x1d: {  	_ =	swait.ge [sflag:s17], $0x2800  }
0x1e: {  	[sflag:s17] =	ssyncset.done $0x0  }
0x1f: {  	[sflag:s17] =	ssyncadd.s32 $0xFFFFD800  }
0x20: {  	[spmem:s2] =	stream.indirect.scatter.add.f32 [tilespmem:s16], [sflag:$0x2], $0x80, s14, s15, $0xb8;
	[tilespmem:$0x16500] =	vst v63  }
0x21: {  	_ =	swait.ge [sflag:s12], $0x2800  }
0x22: {  	s20 =	simm.s32 $0x14;
	s19 =	simm.s32 $0xA;
	[sflag:s12] =	ssyncset.done $0x0  }
.LBB2_2:
0x23: {  	s21 =	sadd.s32 s19, s10  }
0x24: {  	[sflag:s12] =	ssyncadd.s32 $0xFFFFD800;
	s22 =	smov.u32 s20;
	s23 =	sadd.s32 $0xA, s20  }
0x25: {  	[tilespmem:s13], [sflag:$0x2] =	stream.linear.gather [hbm4b:s21+s3], $0x50, $0x38;
	[tilespmem:$0x16500] =	vst v63  }
0x26: {  	p0 =	sne.s32 s20, $0x4D8;
	_ =	swait.ge [sflag:s12], $0x50  }
0x27: {  	[sflag:s12] =	ssyncset.done $0x0  }
0x28: {  	s20 =	sadd.s32 s19, s9;
	s19 =	smov.u32 s22;
	[sflag:s12] =	ssyncadd.s32 $0xFFFFFFB0  }
0x29: {  	[tilespmem:s14], [sflag:$0x2] =	stream.linear.gather [hbm4b:s20+s3], $0x50, $0x38;
	[tilespmem:$0x16500] =	vst v63  }
0x2a: {  	_ =	swait.ge [sflag:s12], $0x50  }
0x2b: {  	[sflag:s12] =	ssyncset.done $0x0  }
0x2c: {  	[sflag:s12] =	ssyncadd.s32 $0xFFFFFFB0  }
0x2d: {  	[tilespmem:s16], [sflag:$0x1] =	stream.indirect.gather [hbm4b:s4+s15], $0x80, s13, s15, $0xb8;
	[tilespmem:$0x16500] =	vst v63  }
0x2e: {  	_ =	swait.ge [sflag:s17], $0x2800  }
.Ltmp0:
0x2f: {  	[sflag:s17] =	ssyncset.done $0x0;
	(pc) =	sbr.rel @p0 .LBB2_2-.Ltmp0, $4  }
0x30: {  	[sflag:s17] =	ssyncadd.s32 $0xFFFFD800  }
0x31: {  	[spmem:s2] =	stream.indirect.scatter.add.f32 [tilespmem:s16], [sflag:$0x2], $0x80, s14, s15, $0xb8;
	[tilespmem:$0x16500] =	vst v63  }
0x32: {  	_ =	swait.ge [sflag:s12], $0x2800  }
0x33: {  	s20 =	smov.u32 s23;
	[sflag:s12] =	ssyncset.done $0x0  }
0x34: {  	s20 =	sadd.s32 s19, s10;
	[sflag:s12] =	ssyncadd.s32 $0xFFFFD800  }
0x35: {  	[tilespmem:s13], [sflag:$0x2] =	stream.linear.gather [hbm4b:s20+s3], $0x50, $0x38;
	[tilespmem:$0x16500] =	vst v63  }
0x36: {  	_ =	swait.ge [sflag:s12], $0x50  }
0x37: {  	[sflag:s12] =	ssyncset.done $0x0  }
0x38: {  	s31 =	sadd.s32 s19, s9;
	[sflag:s12] =	ssyncadd.s32 $0xFFFFFFB0  }
0x39: {  	[tilespmem:s14], [sflag:$0x2] =	stream.linear.gather [hbm4b:s31+s3], $0x50, $0x38;
	[tilespmem:$0x16500] =	vst v63  }
0x3a: {  	_ =	swait.ge [sflag:s12], $0x50  }
0x3b: {  	[sflag:s12] =	ssyncset.done $0x0  }
0x3c: {  	[sflag:s12] =	ssyncadd.s32 $0xFFFFFFB0  }
0x3d: {  	[tilespmem:s16], [sflag:$0x1] =	stream.indirect.gather [hbm4b:s4+s15], $0x80, s13, s15, $0xb8;
	[tilespmem:$0x16500] =	vst v63  }
0x3e: {  	_ =	swait.ge [sflag:s17], $0x2800  }
0x3f: {  	[sflag:s17] =	ssyncset.done $0x0  }
0x40: {  	[sflag:s17] =	ssyncadd.s32 $0xFFFFD800  }
0x41: {  	[spmem:s2] =	stream.indirect.scatter.add.f32 [tilespmem:s16], [sflag:$0x2], $0x80, s14, s15, $0xb8;
	[tilespmem:$0x16500] =	vst v63  }
0x42: {  	_ =	swait.ge [sflag:s12], $0x2800  }
0x43: {  	s18 =	sadd.s32 $0x1, s18;
	[sflag:s12] =	ssyncset.done $0x0  }
0x44: {  	p0 =	sne.s32 s18, s8;
	[sflag:s12] =	ssyncadd.s32 $0xFFFFD800  }
.Ltmp1:
0x45: {  	[bflag:$0x0] =	sbarrier.arrive $0xFFFF;
	(pc) =	sbr.rel @p0 .LBB2_1-.Ltmp1, $4  }
0x46: {  	[hbm:s7], [sflag:s6] =	dma.local [spmem:s11], $0x2780  }
0x47: {  	_ =	swait.ge [sflag:s12], $0x2780  }
0x48: {  	[sflag:s12] =	ssyncset.done $0x0  }
0x49: {  	[sflag:s12] =	ssyncadd.s32 $0xFFFFD880  }
0x4a: {  	_ =	sfence.sel $0x180000  }
0x4b: {  	[bflag:$0x0] =	sbarrier.arrive $0xFFFF  }
0x4c: {  	p0 =	sne.s32 s0, $0x0;
	_ =	strace $0x9000004A  }
0x4d: {  	s0 =	sadd.s32 @!p0 $0x100000, s1;
	[bflag:$0x2] =	sbarrier.arrive $0xFFFF  }
0x4e: {  	[sflag:s0] =	ssyncadd.tile.s32 @!p0 $0x1;
	_ =	shalt  }
.Lfunc_end2:
_tile_overlayer_lowered:
.L_overlay_start_2:
0x4f: {  	(tag) =	ssettag $0x2  }
0x50: {  	s0 =	rddreg [dreg:$0x0];
	s2 =	stileid.u32  }
0x51: {  	s1 =	rddreg [dreg:$0x1];
	p0 =	sne.s32 s2, $0x0  }
0x52: {  	s3 =	rddreg [dreg:$0x2];
	[bflag:$0x3] =	sbarrier.arrive $0xFFFF;
	s2 =	simm.s32 @!p0 $0x1C02  }
0x53: {  	[timem:s3], [sflag:s2] =	dma.local @!p0 [hbm:s0], s1  }
0x54: {  	s0 =	simm.s32 @!p0 $0x2  }
0x55: {  	_ =	swait.ge @!p0 [sflag:s0], s1  }
0x56: {  	s1 =	ssub.s32 @!p0 $0x0, s1;
	[sflag:s0] =	ssyncset.done @!p0 $0x0  }
0x57: {  	[sflag:s0] =	ssyncadd.s32 @!p0 s1  }
0x58: {  	[bflag:$0x3] =	sbarrier.arrive $0xFFFF  }
0x59: {  	_ =	shalt  }

// kernel: kernel.14.cloned.1.call-start
scs
__scs_entry_jumppad:
0x0: {  	(pc) =	sbr.rel $0x88, $3  }
0x1: {  	(tag) =	ssettag $0x0;
	lr =	simm.s32 $0x1  }
0x2: {  	[smem:$0x3F93] =	sst lr;
	_ =	strace $0xD0000000  }
0x3: {  	_ = 	snop  }
0x4: {  	_ = 	snop  }
0x5: {  	_ = 	snop  }
0x6: {  	_ = 	snop  }
0x7: {  	_ = 	snop  }
__scs_overlays_trampoline_lowered:
0x8: {  	[smem:$0x3FA2] =	sst s0  }
0x9: {  	[smem:$0x3FA3] =	sst s1  }
0xa: {  	[smem:$0x3FA4] =	sst s2  }
0xb: {  	[smem:$0x3FA5] =	sst s3  }
0xc: {  	[smem:$0x3FA6] =	sst s4  }
0xd: {  	[smem:$0x3FA7] =	sst s5  }
0xe: {  	[smem:$0x3FA8] =	sst s6  }
0xf: {  	[smem:$0x3FA9] =	sst s7  }
0x10: {  	[smem:$0x3FAA] =	sst s8  }
0x11: {  	[smem:$0x3FAB] =	sst s9;
	s0 =	simm.s32 @!p0 $0x0  }
0x12: {  	s1 =	sld [smem:$0x3F91];
	s0 =	simm.s32 @p0 $0x1  }
0x13: {  	[smem:$0x3FAC] =	sst s0;
	s0 =	simm.s32 @!p1 $0x0  }
0x14: {  	s2 =	sld [smem:$0x3F90];
	s0 =	simm.s32 @p1 $0x1  }
0x15: {  	[smem:$0x3FAD] =	sst s0;
	s0 =	simm.s32 @!p2 $0x0  }
0x16: {  	s3 =	sld [smem:$0x3FDB];
	s0 =	simm.s32 @p2 $0x1  }
0x17: {  	s4 =	simm.s32 $0x1BF5;
	[smem:$0x3FAF] =	sst s0  }
0x18: {  	s0 =	sld [smem:$0x3F92];
	_ =	swait.ge [sflag:s4], $0x0  }
0x19: {  	s7 =	sld [smem:$0x3F93]  }
0x1a: {  	s8 =	sadd.s32 $0xFFFFE003, lr  }
0x1b: {  	s9 =	sadd.s32 $0xFFFFFEF7, lr;
	s5 =	simm.s32 $0xFFFFFFFF;
	p2 =	slt.u32 s8, $0xFFFFF086  }
0x1c: {  	p1 =	slt.u32 s9, $0xF7A;
	s5 =	simm.s32 @!p2 $0x0  }
0x1d: {  	s5 =	simm.s32 @p1 $0x1;
	p0 =	seq.s32 s7, s2  }
0x1e: {  	s7 =	smul.u32 @!p0 $0xF7A, s2;
	p2 =	seq.s32 @!p0 s5, $0x0  }
0x1f: {  	s9 =	smul.u32 $0xF7A, s1;
	s8 =	simm.s32 @!p0 $0x1BF5;
	p2 =	por !p2, p0  }
0x20: {  	[sflag:s8] =	ssyncset.s32 @!p0 $0xFFFFF086;
	s6 =	sadd.s32 @!p0 s3, s7;
	s7 =	simm.s32 @!p0 $0x108  }
0x21: {  	s3 =	sadd.s32 s3, s9;
	s6 =	sadd.s32 @!p0 $0x88, s6;
	s7 =	simm.s32 @p2 $0x1082  }
0x22: {  	[simem:s7], [sflag:s8] =	dma.local @!p0 [hbm:s6], $0xF7A  }
0x23: {  	s9 =	sor.u32 $0xD0000000, s2;
	s6 =	simm.s32 $0x108;
	_ =	swait.ge @!p0 [sflag:s8], $0x0  }
0x24: {  	s3 =	sadd.s32 $0x88, s3;
	s6 =	simm.s32 @!p1 $0x1082;
	[sflag:s4] =	ssyncset.s32 $0xFFFFF086  }
0x25: {  	[simem:s6], [sflag:s4] =	dma.local [hbm:s3], $0xF7A  }
0x26: {  	[smem:$0x3F93] =	sst s1;
	(tag) =	ssettag s2;
	_ =	strace s9  }
0x27: {  	s1 =	sld [smem:$0x3FA3]  }
0x28: {  	s2 =	sld [smem:$0x3FA4]  }
0x29: {  	s4 =	sld [smem:$0x3FA6]  }
0x2a: {  	p0 =	seq.s32 s5, $0x0;
	s5 =	sld [smem:$0x3FA7]  }
0x2b: {  	s6 =	sld [smem:$0x3FA8]  }
0x2c: {  	s7 =	sld [smem:$0x3FA9]  }
0x2d: {  	s3 =	simm.s32 $0x108;
	s8 =	sld [smem:$0x3FAA]  }
0x2e: {  	s3 =	simm.s32 @!p0 $0x1082;
	s9 =	sld [smem:$0x3FAB]  }
0x2f: {  	lr =	sadd.s32 s0, s3;
	s0 =	sld [smem:$0x3FA2]  }
0x30: {  	s3 =	sld [smem:$0x3FA5]  }
0x31: {  	[smem:$0x3FAE] =	sst s10  }
0x32: {  	s10 =	sld [smem:$0x3FAC];
	_ =	sdelay $0x3  }
0x33: {  	p0 =	seq.s32 s10, $0x1;
	s10 =	sld [smem:$0x3FAE];
	_ =	sdelay $0x3  }
0x34: {  	[smem:$0x3FAE] =	sst s10  }
0x35: {  	s10 =	sld [smem:$0x3FAD];
	_ =	sdelay $0x3  }
0x36: {  	p1 =	seq.s32 s10, $0x1;
	s10 =	sld [smem:$0x3FAE];
	_ =	sdelay $0x3  }
0x37: {  	[smem:$0x3FAE] =	sst s10  }
0x38: {  	s10 =	sld [smem:$0x3FAF]  }
0x39: {  	_ = 	snop;
	(pc) =	sbr.ind lr, $3  }
0x3a: {  	_ = 	snop  }
0x3b: {  	_ = 	snop  }
0x3c: {  	p2 =	seq.s32 s10, $0x1;
	s10 =	sld [smem:$0x3FAE]  }
0x3d: {  	_ =	shalt  }
0x3e: {  	_ =	shalt  }
0x3f: {  	_ =	shalt  }
0x40: {  	_ =	shalt  }
0x41: {  	_ =	shalt  }
0x42: {  	_ =	shalt  }
0x43: {  	_ =	shalt  }
0x44: {  	_ =	shalt  }
0x45: {  	_ =	shalt  }
0x46: {  	_ =	shalt  }
0x47: {  	_ =	shalt  }
0x48: {  	_ =	shalt  }
0x49: {  	_ =	shalt  }
0x4a: {  	_ =	shalt  }
0x4b: {  	_ =	shalt  }
0x4c: {  	_ =	shalt  }
0x4d: {  	_ =	shalt  }
0x4e: {  	_ =	shalt  }
0x4f: {  	_ =	shalt  }
0x50: {  	_ =	shalt  }
0x51: {  	_ =	shalt  }
0x52: {  	_ =	shalt  }
0x53: {  	_ =	shalt  }
0x54: {  	_ =	shalt  }
0x55: {  	_ =	shalt  }
0x56: {  	_ =	shalt  }
0x57: {  	_ =	shalt  }
0x58: {  	_ =	shalt  }
0x59: {  	_ =	shalt  }
0x5a: {  	_ =	shalt  }
0x5b: {  	_ =	shalt  }
0x5c: {  	_ =	shalt  }
0x5d: {  	_ =	shalt  }
0x5e: {  	_ =	shalt  }
0x5f: {  	_ =	shalt  }
0x60: {  	_ =	shalt  }
0x61: {  	_ =	shalt  }
0x62: {  	_ =	shalt  }
0x63: {  	_ =	shalt  }
0x64: {  	_ =	shalt  }
0x65: {  	_ =	shalt  }
0x66: {  	_ =	shalt  }
0x67: {  	_ =	shalt  }
0x68: {  	_ =	shalt  }
0x69: {  	_ =	shalt  }
0x6a: {  	_ =	shalt  }
0x6b: {  	_ =	shalt  }
0x6c: {  	_ =	shalt  }
0x6d: {  	_ =	shalt  }
0x6e: {  	_ =	shalt  }
0x6f: {  	_ =	shalt  }
0x70: {  	_ =	shalt  }
0x71: {  	_ =	shalt  }
0x72: {  	_ =	shalt  }
0x73: {  	_ =	shalt  }
0x74: {  	_ =	shalt  }
0x75: {  	_ =	shalt  }
0x76: {  	_ =	shalt  }
0x77: {  	_ =	shalt  }
0x78: {  	_ =	shalt  }
0x79: {  	_ =	shalt  }
0x7a: {  	_ =	shalt  }
0x7b: {  	_ =	shalt  }
0x7c: {  	_ =	shalt  }
0x7d: {  	_ =	shalt  }
0x7e: {  	_ =	shalt  }
0x7f: {  	_ =	shalt  }
0x80: {  	_ =	shalt  }
0x81: {  	_ =	shalt  }
0x82: {  	_ =	shalt  }
0x83: {  	_ =	shalt  }
0x84: {  	_ =	shalt  }
0x85: {  	_ =	shalt  }
0x86: {  	_ =	shalt  }
0x87: {  	_ =	shalt  }
.Lfunc_end0:
.L_simem_size_0:
called_computation.2_lowered:
.L_overlay_start_0:
0x88: {  	s2 =	sld [smem:$0x3FD9]  }
0x89: {  	s3 =	sld [smem:$0x3FFE];
	_ =	sdelay $0x1  }
0x8a: {  	s1 =	srdreg.scid  }
0x8b: {  	s0 =	sand.u32 $0x1, s1  }
0x8c: {  	s16 =	sshll.u32 s0, $0xA;
	s2 =	sadd.s32 s3, s2  }
0x8d: {  	s2 =	sadd.s32 s2, s16  }
0x8e: {  	[smem:$0x3FBA] =	sst s2  }
0x8f: {  	_ = 	snop  }
0x90: {  	(tm) =	ssettm $0x1  }
0x91: {  	s17 =	sld [smem:$0x3FFB];
	_ =	sdelay $0x3  }
0x92: {  	_ =	strace s17  }
0x93: {  	s2 =	sld [smem:$0x3FFC];
	_ =	sdelay $0x3  }
0x94: {  	_ =	strace s2  }
0x95: {  	s2 =	sld [smem:$0x3FFD];
	_ =	sdelay $0x3  }
0x96: {  	_ =	strace s2  }
0x97: {  	_ =	strace $0x8FFFFFFF  }
0x98: {  	s18 =	sld [smem:$0x3FDB];
	_ =	sdelay $0x1  }
0x99: {  	s19 =	simm.s32 $_scs_section_size  }
0x9a: {  	s4 =	simm.s32 $_size__tile_overlayer_lowered;
	s5 =	simm.s32 $_tile_overlayer_lowered  }
0x9b: {  	s22 =	simm.s32 $0x1BFF;
	s21 =	sshll.u32 s5, $0x1;
	s2 =	sadd.s32 s19, s18  }
0x9c: {  	s6 =	simm.s32 $0x0;
	s20 =	sshll.u32 s4, $0x1;
	s4 =	sadd.s32 s21, s2  }
0x9d: {  	[timem:s6], [sflag:s22] =	dma.local [hbm:s4], s20  }
0x9e: {  	_ =	swait.ge [sflag:s22], s20  }
0x9f: {  	s3 =	ssub.s32 $0x0, s20;
	[sflag:s22] =	ssyncset.done $0x0  }
0xa0: {  	[sflag:s22] =	ssyncadd.s32 s3;
	_ =	sdelay $0x1  }
0xa1: {  	s23 =	simm.s32 $0x1B8B  }
0xa2: {  	_ =	swait.ge [sflag:s23], $0x1  }
0xa3: {  	[sflag:s23] =	ssyncset.done $0x0  }
0xa4: {  	s25 =	simm.s32 $0x1B8E;
	s24 =	sld [smem:$0x3FFE];
	[sflag:s23] =	ssyncadd.s32 $0xFFFFFFFF  }
0xa5: {  	s26 =	simm.s32 $execute0_lowered;
	[smem:$0x3FD2] =	sst s25  }
0xa6: {  	s4 =	sshll.u32 s26, $0x1;
	_ =	strace $0x8000004C;
	[dreg:$0x1] =	wrdreg $0xFFFFFFFF  }
0xa7: {  	s28 =	simm.s32 $_size_execute0_lowered;
	s2 =	sadd.s32 s2, s4;
	[dreg:$0x0] =	wrdreg $0x0  }
0xa8: {  	s4 =	sshll.u32 s28, $0x1;
	[dreg:$0x2] =	wrdreg s2  }
0xa9: {  	[dreg:$0x3] =	wrdreg s4  }
0xaa: {  	[dreg:$0x4] =	wrdreg $0xC0  }
0xab: {  	_ =	task [dreg:s6], $0x5FFFF  }
0xac: {  	[dreg:$0x1] =	wrdreg $0xFFFFFFFF  }
0xad: {  	[dreg:$0x0] =	wrdreg $0x60  }
0xae: {  	[dreg:$0x2] =	wrdreg s24  }
0xaf: {  	[dreg:$0x3] =	wrdreg $0x0  }
0xb0: {  	[dreg:$0x4] =	wrdreg $0x9  }
0xb1: {  	_ =	task.clear_ibuf [dreg:s6], $0x5FFFF;
	_ =	strace $0x9000004C  }
0xb2: {  	s29 =	simm.s32 $0x9;
	_ =	strace $0x8000004E  }
0xb3: {  	_ =	swait.ge [sflag:s29], $0x1  }
0xb4: {  	[sflag:s29] =	ssyncadd.s32 $0xFFFFFFFF  }
0xb5: {  	_ =	strace $0x9000004E  }
0xb6: {  	_ =	sfence  }
0xb7: {  	s30 =	sld [smem:$0x0];
	_ =	sdelay $0x2  }
0xb8: {  	s31 =	sshll.u32 s1, $0xD;
	s1 =	sshrl.u32 s1, $0x2  }
0xb9: {  	s3 =	sand.u32 $0x4000, s31;
	s1 =	sadd.s32 s1, s30  }
0xba: {  	s0 =	sor.u32 s3, s0;
	s1 =	sshll.u32 s1, $0x11  }
0xbb: {  	s0 =	sor.u32 s1, s0  }
0xbc: {  	s0 =	sadd.s32 $0x8F2B, s0  }
0xbd: {  	[sflag:s0] =	ssyncadd.remote.s32 $0x1  }
0xbe: {  	_ =	sfence.sel $0xFFFF  }
0xbf: {  	[dreg:$0x0] =	wrdreg $0xFFFFFFFF;
	(pc) =	sbr.abs _section_cstart, $3  }
0xc0: {  	[dreg:$0x1] =	wrdreg $0xFFFFFFFF  }
0xc1: {  	_ =	task.clear_ibuf [dreg:s6], $0x2FFFF;
	_ =	strace $0x9FFFFFFF  }
0xc2: {  	(tm) =	ssettm $0x7FFFFFFF  }
0xc3: {  	_ =	shalt  }
tec
execute0_lowered:
.L_overlay_start_1:
0x0: {  	(tag) =	ssettag $0x1  }
0x1: {  	s1 =	srdreg.scid;
	s6 =	rddreg [dreg:$0x0]  }
0x2: {  	s0 =	stileid.u32;
	s2 =	rddreg [dreg:$0x1];
	s3 =	simm.s32 $0x0  }
0x3: {  	s14 =	simm.s32 $0x13C80;
	s15 =	simm.s32 $0x50;
	s4 =	smul.u32 $0x4E20, s0  }
0x4: {  	s16 =	simm.s32 $0x13D00;
	s17 =	simm.s32 $0x1;
	s30 =	smul.u32 $0x13C00, s0  }
0x5: {  	s7 =	sand.u32 $0x1, s1;
	s1 =	rddreg [dreg:$0x2];
	s9 =	smul.u32 $0x4F000, s0  }
0x6: {  	s18 =	simm.s32 $0x0;
	[smem:$0x7FF] =	sst s3;
	s5 =	smul.u32 $0x2710, s7  }
0x7: {  	s11 =	sshll.u32 s0, $0x6;
	s8 =	smul.u32 $0x13C000, s7;
	s31 =	ssub.s32 $0x2, s7  }
0x8: {  	_ =	strace $0x8000004D;
	s7 =	sshrl.u32 s31, $0x1;
	s9 =	sshrl.u32 s9, $0x2  }
0x9: {  	s4 =	sadd.s32 s5, s4;
	s5 =	sadd.s32 s30, s8;
	s12 =	ssub.s32 s31, s7  }
0xa: {  	s13 =	sadd.s32 s9, s2;
	s4 =	sshrl.u32 s4, $0x3;
	s8 =	sshrl.u32 s5, $0x3  }
0xb: {  	s5 =	sadd.s32 $0x3DE00, s6;
	s10 =	sadd.s32 s4, s6;
	s4 =	sadd.s32 $0x16C00, s6  }
0xc: {  	s8 =	sadd.s32 s8, s6;
	s6 =	sor.u32 $0x1C02, s11;
	s11 =	sshrl.u32 s13, $0x3  }
0xd: {  	s13 =	simm.s32 $0x13C00;
	s7 =	sadd.s32 $0x40600, s8;
	s8 =	smax.u32 s12, $0x1  }
0xe: {  	s9 =	sadd.s32 $0x3000, s10;
	s10 =	sadd.s32 $0xCE00, s10;
	s12 =	simm.s32 $0x2  }
.LBB2_1:
0xf: {  	[spmem:s11], [sflag:s6] =	dma.local [hbm:s5], $0x2780  }
0x10: {  	_ =	swait.ge [sflag:s12], $0x2780  }
0x11: {  	[sflag:s12] =	ssyncset.done $0x0  }
0x12: {  	[sflag:s12] =	ssyncadd.s32 $0xFFFFD880  }
0x13: {  	s19 =	sadd.s32 $0x0, s10;
	[bflag:$0x0] =	sbarrier.arrive $0xFFFF  }
0x14: {  	[tilespmem:s13], [sflag:$0x2] =	stream.linear.gather [hbm4b:s19+s3], $0x50, $0x38;
	[tilespmem:$0x16500] =	vst v63  }
0x15: {  	_ =	swait.ge [sflag:s12], $0x50  }
0x16: {  	[sflag:s12] =	ssyncset.done $0x0  }
0x17: {  	s31 =	sadd.s32 $0x0, s9;
	[sflag:s12] =	ssyncadd.s32 $0xFFFFFFB0  }
0x18: {  	[tilespmem:s14], [sflag:$0x2] =	stream.linear.gather [hbm4b:s31+s3], $0x50, $0x38;
	[tilespmem:$0x16500] =	vst v63  }
0x19: {  	_ =	swait.ge [sflag:s12], $0x50  }
0x1a: {  	[sflag:s12] =	ssyncset.done $0x0  }
0x1b: {  	[sflag:s12] =	ssyncadd.s32 $0xFFFFFFB0  }
0x1c: {  	[tilespmem:s16], [sflag:$0x1] =	stream.indirect.gather [hbm4b:s4+s15], $0x80, s13, s15, $0xb8;
	[tilespmem:$0x16500] =	vst v63  }
0x1d: {  	_ =	swait.ge [sflag:s17], $0x2800  }
0x1e: {  	[sflag:s17] =	ssyncset.done $0x0  }
0x1f: {  	[sflag:s17] =	ssyncadd.s32 $0xFFFFD800  }
0x20: {  	[spmem:s2] =	stream.indirect.scatter.add.f32 [tilespmem:s16], [sflag:$0x2], $0x80, s14, s15, $0xb8;
	[tilespmem:$0x16500] =	vst v63  }
0x21: {  	_ =	swait.ge [sflag:s12], $0x2800  }
0x22: {  	s20 =	simm.s32 $0x14;
	s19 =	simm.s32 $0xA;
	[sflag:s12] =	ssyncset.done $0x0  }
.LBB2_2:
0x23: {  	s21 =	sadd.s32 s19, s10  }
0x24: {  	[sflag:s12] =	ssyncadd.s32 $0xFFFFD800;
	s22 =	smov.u32 s20;
	s23 =	sadd.s32 $0xA, s20  }
0x25: {  	[tilespmem:s13], [sflag:$0x2] =	stream.linear.gather [hbm4b:s21+s3], $0x50, $0x38;
	[tilespmem:$0x16500] =	vst v63  }
0x26: {  	p0 =	sne.s32 s20, $0x4D8;
	_ =	swait.ge [sflag:s12], $0x50  }
0x27: {  	[sflag:s12] =	ssyncset.done $0x0  }
0x28: {  	s20 =	sadd.s32 s19, s9;
	s19 =	smov.u32 s22;
	[sflag:s12] =	ssyncadd.s32 $0xFFFFFFB0  }
0x29: {  	[tilespmem:s14], [sflag:$0x2] =	stream.linear.gather [hbm4b:s20+s3], $0x50, $0x38;
	[tilespmem:$0x16500] =	vst v63  }
0x2a: {  	_ =	swait.ge [sflag:s12], $0x50  }
0x2b: {  	[sflag:s12] =	ssyncset.done $0x0  }
0x2c: {  	[sflag:s12] =	ssyncadd.s32 $0xFFFFFFB0  }
0x2d: {  	[tilespmem:s16], [sflag:$0x1] =	stream.indirect.gather [hbm4b:s4+s15], $0x80, s13, s15, $0xb8;
	[tilespmem:$0x16500] =	vst v63  }
0x2e: {  	_ =	swait.ge [sflag:s17], $0x2800  }
.Ltmp0:
0x2f: {  	[sflag:s17] =	ssyncset.done $0x0;
	(pc) =	sbr.rel @p0 .LBB2_2-.Ltmp0, $4  }
0x30: {  	[sflag:s17] =	ssyncadd.s32 $0xFFFFD800  }
0x31: {  	[spmem:s2] =	stream.indirect.scatter.add.f32 [tilespmem:s16], [sflag:$0x2], $0x80, s14, s15, $0xb8;
	[tilespmem:$0x16500] =	vst v63  }
0x32: {  	_ =	swait.ge [sflag:s12], $0x2800  }
0x33: {  	s20 =	smov.u32 s23;
	[sflag:s12] =	ssyncset.done $0x0  }
0x34: {  	s20 =	sadd.s32 s19, s10;
	[sflag:s12] =	ssyncadd.s32 $0xFFFFD800  }
0x35: {  	[tilespmem:s13], [sflag:$0x2] =	stream.linear.gather [hbm4b:s20+s3], $0x50, $0x38;
	[tilespmem:$0x16500] =	vst v63  }
0x36: {  	_ =	swait.ge [sflag:s12], $0x50  }
0x37: {  	[sflag:s12] =	ssyncset.done $0x0  }
0x38: {  	s31 =	sadd.s32 s19, s9;
	[sflag:s12] =	ssyncadd.s32 $0xFFFFFFB0  }
0x39: {  	[tilespmem:s14], [sflag:$0x2] =	stream.linear.gather [hbm4b:s31+s3], $0x50, $0x38;
	[tilespmem:$0x16500] =	vst v63  }
0x3a: {  	_ =	swait.ge [sflag:s12], $0x50  }
0x3b: {  	[sflag:s12] =	ssyncset.done $0x0  }
0x3c: {  	[sflag:s12] =	ssyncadd.s32 $0xFFFFFFB0  }
0x3d: {  	[tilespmem:s16], [sflag:$0x1] =	stream.indirect.gather [hbm4b:s4+s15], $0x80, s13, s15, $0xb8;
	[tilespmem:$0x16500] =	vst v63  }
0x3e: {  	_ =	swait.ge [sflag:s17], $0x2800  }
0x3f: {  	[sflag:s17] =	ssyncset.done $0x0  }
0x40: {  	[sflag:s17] =	ssyncadd.s32 $0xFFFFD800  }
0x41: {  	[spmem:s2] =	stream.indirect.scatter.add.f32 [tilespmem:s16], [sflag:$0x2], $0x80, s14, s15, $0xb8;
	[tilespmem:$0x16500] =	vst v63  }
0x42: {  	_ =	swait.ge [sflag:s12], $0x2800  }
0x43: {  	s18 =	sadd.s32 $0x1, s18;
	[sflag:s12] =	ssyncset.done $0x0  }
0x44: {  	p0 =	sne.s32 s18, s8;
	[sflag:s12] =	ssyncadd.s32 $0xFFFFD800  }
.Ltmp1:
0x45: {  	[bflag:$0x0] =	sbarrier.arrive $0xFFFF;
	(pc) =	sbr.rel @p0 .LBB2_1-.Ltmp1, $4  }
0x46: {  	[hbm:s7], [sflag:s6] =	dma.local [spmem:s11], $0x2780  }
0x47: {  	_ =	swait.ge [sflag:s12], $0x2780  }
0x48: {  	[sflag:s12] =	ssyncset.done $0x0  }
0x49: {  	[sflag:s12] =	ssyncadd.s32 $0xFFFFD880  }
0x4a: {  	_ =	sfence.sel $0x180000  }
0x4b: {  	[bflag:$0x0] =	sbarrier.arrive $0xFFFF  }
0x4c: {  	p0 =	sne.s32 s0, $0x0;
	_ =	strace $0x9000004D  }
0x4d: {  	s0 =	sadd.s32 @!p0 $0x100000, s1;
	[bflag:$0x2] =	sbarrier.arrive $0xFFFF  }
0x4e: {  	[sflag:s0] =	ssyncadd.tile.s32 @!p0 $0x1;
	_ =	shalt  }
.Lfunc_end2:
_tile_overlayer_lowered:
.L_overlay_start_2:
0x4f: {  	(tag) =	ssettag $0x2  }
0x50: {  	s0 =	rddreg [dreg:$0x0];
	s2 =	stileid.u32  }
0x51: {  	s1 =	rddreg [dreg:$0x1];
	p0 =	sne.s32 s2, $0x0  }
0x52: {  	s3 =	rddreg [dreg:$0x2];
	[bflag:$0x3] =	sbarrier.arrive $0xFFFF;
	s2 =	simm.s32 @!p0 $0x1C02  }
0x53: {  	[timem:s3], [sflag:s2] =	dma.local @!p0 [hbm:s0], s1  }
0x54: {  	s0 =	simm.s32 @!p0 $0x2  }
0x55: {  	_ =	swait.ge @!p0 [sflag:s0], s1  }
0x56: {  	s1 =	ssub.s32 @!p0 $0x0, s1;
	[sflag:s0] =	ssyncset.done @!p0 $0x0  }
0x57: {  	[sflag:s0] =	ssyncadd.s32 @!p0 s1  }
0x58: {  	[bflag:$0x3] =	sbarrier.arrive $0xFFFF  }
0x59: {  	_ =	shalt  }

// kernel: kernel.8.cloned.1.call-start
scs
__scs_entry_jumppad:
0x0: {  	(pc) =	sbr.rel $0x88, $3  }
0x1: {  	(tag) =	ssettag $0x0;
	lr =	simm.s32 $0x1  }
0x2: {  	[smem:$0x3F93] =	sst lr;
	_ =	strace $0xD0000000  }
0x3: {  	_ = 	snop  }
0x4: {  	_ = 	snop  }
0x5: {  	_ = 	snop  }
0x6: {  	_ = 	snop  }
0x7: {  	_ = 	snop  }
__scs_overlays_trampoline_lowered:
0x8: {  	[smem:$0x3FA2] =	sst s0  }
0x9: {  	[smem:$0x3FA3] =	sst s1  }
0xa: {  	[smem:$0x3FA4] =	sst s2  }
0xb: {  	[smem:$0x3FA5] =	sst s3  }
0xc: {  	[smem:$0x3FA6] =	sst s4  }
0xd: {  	[smem:$0x3FA7] =	sst s5  }
0xe: {  	[smem:$0x3FA8] =	sst s6  }
0xf: {  	[smem:$0x3FA9] =	sst s7  }
0x10: {  	[smem:$0x3FAA] =	sst s8  }
0x11: {  	[smem:$0x3FAB] =	sst s9;
	s0 =	simm.s32 @!p0 $0x0  }
0x12: {  	s1 =	sld [smem:$0x3F91];
	s0 =	simm.s32 @p0 $0x1  }
0x13: {  	[smem:$0x3FAC] =	sst s0;
	s0 =	simm.s32 @!p1 $0x0  }
0x14: {  	s2 =	sld [smem:$0x3F90];
	s0 =	simm.s32 @p1 $0x1  }
0x15: {  	[smem:$0x3FAD] =	sst s0;
	s0 =	simm.s32 @!p2 $0x0  }
0x16: {  	s3 =	sld [smem:$0x3FDB];
	s0 =	simm.s32 @p2 $0x1  }
0x17: {  	s4 =	simm.s32 $0x1BF5;
	[smem:$0x3FAF] =	sst s0  }
0x18: {  	s0 =	sld [smem:$0x3F92];
	_ =	swait.ge [sflag:s4], $0x0  }
0x19: {  	s7 =	sld [smem:$0x3F93]  }
0x1a: {  	s8 =	sadd.s32 $0xFFFFE003, lr  }
0x1b: {  	s9 =	sadd.s32 $0xFFFFFEF7, lr;
	s5 =	simm.s32 $0xFFFFFFFF;
	p2 =	slt.u32 s8, $0xFFFFF086  }
0x1c: {  	p1 =	slt.u32 s9, $0xF7A;
	s5 =	simm.s32 @!p2 $0x0  }
0x1d: {  	s5 =	simm.s32 @p1 $0x1;
	p0 =	seq.s32 s7, s2  }
0x1e: {  	s7 =	smul.u32 @!p0 $0xF7A, s2;
	p2 =	seq.s32 @!p0 s5, $0x0  }
0x1f: {  	s9 =	smul.u32 $0xF7A, s1;
	s8 =	simm.s32 @!p0 $0x1BF5;
	p2 =	por !p2, p0  }
0x20: {  	[sflag:s8] =	ssyncset.s32 @!p0 $0xFFFFF086;
	s6 =	sadd.s32 @!p0 s3, s7;
	s7 =	simm.s32 @!p0 $0x108  }
0x21: {  	s3 =	sadd.s32 s3, s9;
	s6 =	sadd.s32 @!p0 $0x88, s6;
	s7 =	simm.s32 @p2 $0x1082  }
0x22: {  	[simem:s7], [sflag:s8] =	dma.local @!p0 [hbm:s6], $0xF7A  }
0x23: {  	s9 =	sor.u32 $0xD0000000, s2;
	s6 =	simm.s32 $0x108;
	_ =	swait.ge @!p0 [sflag:s8], $0x0  }
0x24: {  	s3 =	sadd.s32 $0x88, s3;
	s6 =	simm.s32 @!p1 $0x1082;
	[sflag:s4] =	ssyncset.s32 $0xFFFFF086  }
0x25: {  	[simem:s6], [sflag:s4] =	dma.local [hbm:s3], $0xF7A  }
0x26: {  	[smem:$0x3F93] =	sst s1;
	(tag) =	ssettag s2;
	_ =	strace s9  }
0x27: {  	s1 =	sld [smem:$0x3FA3]  }
0x28: {  	s2 =	sld [smem:$0x3FA4]  }
0x29: {  	s4 =	sld [smem:$0x3FA6]  }
0x2a: {  	p0 =	seq.s32 s5, $0x0;
	s5 =	sld [smem:$0x3FA7]  }
0x2b: {  	s6 =	sld [smem:$0x3FA8]  }
0x2c: {  	s7 =	sld [smem:$0x3FA9]  }
0x2d: {  	s3 =	simm.s32 $0x108;
	s8 =	sld [smem:$0x3FAA]  }
0x2e: {  	s3 =	simm.s32 @!p0 $0x1082;
	s9 =	sld [smem:$0x3FAB]  }
0x2f: {  	lr =	sadd.s32 s0, s3;
	s0 =	sld [smem:$0x3FA2]  }
0x30: {  	s3 =	sld [smem:$0x3FA5]  }
0x31: {  	[smem:$0x3FAE] =	sst s10  }
0x32: {  	s10 =	sld [smem:$0x3FAC];
	_ =	sdelay $0x3  }
0x33: {  	p0 =	seq.s32 s10, $0x1;
	s10 =	sld [smem:$0x3FAE];
	_ =	sdelay $0x3  }
0x34: {  	[smem:$0x3FAE] =	sst s10  }
0x35: {  	s10 =	sld [smem:$0x3FAD];
	_ =	sdelay $0x3  }
0x36: {  	p1 =	seq.s32 s10, $0x1;
	s10 =	sld [smem:$0x3FAE];
	_ =	sdelay $0x3  }
0x37: {  	[smem:$0x3FAE] =	sst s10  }
0x38: {  	s10 =	sld [smem:$0x3FAF]  }
0x39: {  	_ = 	snop;
	(pc) =	sbr.ind lr, $3  }
0x3a: {  	_ = 	snop  }
0x3b: {  	_ = 	snop  }
0x3c: {  	p2 =	seq.s32 s10, $0x1;
	s10 =	sld [smem:$0x3FAE]  }
0x3d: {  	_ =	shalt  }
0x3e: {  	_ =	shalt  }
0x3f: {  	_ =	shalt  }
0x40: {  	_ =	shalt  }
0x41: {  	_ =	shalt  }
0x42: {  	_ =	shalt  }
0x43: {  	_ =	shalt  }
0x44: {  	_ =	shalt  }
0x45: {  	_ =	shalt  }
0x46: {  	_ =	shalt  }
0x47: {  	_ =	shalt  }
0x48: {  	_ =	shalt  }
0x49: {  	_ =	shalt  }
0x4a: {  	_ =	shalt  }
0x4b: {  	_ =	shalt  }
0x4c: {  	_ =	shalt  }
0x4d: {  	_ =	shalt  }
0x4e: {  	_ =	shalt  }
0x4f: {  	_ =	shalt  }
0x50: {  	_ =	shalt  }
0x51: {  	_ =	shalt  }
0x52: {  	_ =	shalt  }
0x53: {  	_ =	shalt  }
0x54: {  	_ =	shalt  }
0x55: {  	_ =	shalt  }
0x56: {  	_ =	shalt  }
0x57: {  	_ =	shalt  }
0x58: {  	_ =	shalt  }
0x59: {  	_ =	shalt  }
0x5a: {  	_ =	shalt  }
0x5b: {  	_ =	shalt  }
0x5c: {  	_ =	shalt  }
0x5d: {  	_ =	shalt  }
0x5e: {  	_ =	shalt  }
0x5f: {  	_ =	shalt  }
0x60: {  	_ =	shalt  }
0x61: {  	_ =	shalt  }
0x62: {  	_ =	shalt  }
0x63: {  	_ =	shalt  }
0x64: {  	_ =	shalt  }
0x65: {  	_ =	shalt  }
0x66: {  	_ =	shalt  }
0x67: {  	_ =	shalt  }
0x68: {  	_ =	shalt  }
0x69: {  	_ =	shalt  }
0x6a: {  	_ =	shalt  }
0x6b: {  	_ =	shalt  }
0x6c: {  	_ =	shalt  }
0x6d: {  	_ =	shalt  }
0x6e: {  	_ =	shalt  }
0x6f: {  	_ =	shalt  }
0x70: {  	_ =	shalt  }
0x71: {  	_ =	shalt  }
0x72: {  	_ =	shalt  }
0x73: {  	_ =	shalt  }
0x74: {  	_ =	shalt  }
0x75: {  	_ =	shalt  }
0x76: {  	_ =	shalt  }
0x77: {  	_ =	shalt  }
0x78: {  	_ =	shalt  }
0x79: {  	_ =	shalt  }
0x7a: {  	_ =	shalt  }
0x7b: {  	_ =	shalt  }
0x7c: {  	_ =	shalt  }
0x7d: {  	_ =	shalt  }
0x7e: {  	_ =	shalt  }
0x7f: {  	_ =	shalt  }
0x80: {  	_ =	shalt  }
0x81: {  	_ =	shalt  }
0x82: {  	_ =	shalt  }
0x83: {  	_ =	shalt  }
0x84: {  	_ =	shalt  }
0x85: {  	_ =	shalt  }
0x86: {  	_ =	shalt  }
0x87: {  	_ =	shalt  }
.Lfunc_end0:
.L_simem_size_0:
called_computation_lowered:
.L_overlay_start_0:
0x88: {  	s2 =	sld [smem:$0x3FD9]  }
0x89: {  	s3 =	sld [smem:$0x3FFE];
	_ =	sdelay $0x1  }
0x8a: {  	s1 =	srdreg.scid  }
0x8b: {  	s0 =	sand.u32 $0x1, s1  }
0x8c: {  	s16 =	sshll.u32 s0, $0xA;
	s2 =	sadd.s32 s3, s2  }
0x8d: {  	s2 =	sadd.s32 s2, s16  }
0x8e: {  	[smem:$0x3FBA] =	sst s2  }
0x8f: {  	_ = 	snop  }
0x90: {  	(tm) =	ssettm $0x1  }
0x91: {  	s17 =	sld [smem:$0x3FFB];
	_ =	sdelay $0x3  }
0x92: {  	_ =	strace s17  }
0x93: {  	s2 =	sld [smem:$0x3FFC];
	_ =	sdelay $0x3  }
0x94: {  	_ =	strace s2  }
0x95: {  	s2 =	sld [smem:$0x3FFD];
	_ =	sdelay $0x3  }
0x96: {  	_ =	strace s2  }
0x97: {  	_ =	strace $0x8FFFFFFF  }
0x98: {  	s18 =	sld [smem:$0x3FDB];
	_ =	sdelay $0x1  }
0x99: {  	s19 =	simm.s32 $_scs_section_size  }
0x9a: {  	s4 =	simm.s32 $_size__tile_overlayer_lowered;
	s5 =	simm.s32 $_tile_overlayer_lowered  }
0x9b: {  	s22 =	simm.s32 $0x1BFF;
	s21 =	sshll.u32 s5, $0x1;
	s2 =	sadd.s32 s19, s18  }
0x9c: {  	s6 =	simm.s32 $0x0;
	s20 =	sshll.u32 s4, $0x1;
	s4 =	sadd.s32 s21, s2  }
0x9d: {  	[timem:s6], [sflag:s22] =	dma.local [hbm:s4], s20  }
0x9e: {  	_ =	swait.ge [sflag:s22], s20  }
0x9f: {  	s3 =	ssub.s32 $0x0, s20;
	[sflag:s22] =	ssyncset.done $0x0  }
0xa0: {  	[sflag:s22] =	ssyncadd.s32 s3;
	_ =	sdelay $0x1  }
0xa1: {  	s23 =	simm.s32 $0x1B8B  }
0xa2: {  	_ =	swait.ge [sflag:s23], $0x1  }
0xa3: {  	[sflag:s23] =	ssyncset.done $0x0  }
0xa4: {  	s25 =	simm.s32 $0x1B8E;
	s24 =	sld [smem:$0x3FFE];
	[sflag:s23] =	ssyncadd.s32 $0xFFFFFFFF  }
0xa5: {  	s26 =	simm.s32 $execute0_lowered;
	[smem:$0x3FD2] =	sst s25  }
0xa6: {  	s4 =	sshll.u32 s26, $0x1;
	_ =	strace $0x80000046;
	[dreg:$0x1] =	wrdreg $0xFFFFFFFF  }
0xa7: {  	s28 =	simm.s32 $_size_execute0_lowered;
	s2 =	sadd.s32 s2, s4;
	[dreg:$0x0] =	wrdreg $0x0  }
0xa8: {  	s4 =	sshll.u32 s28, $0x1;
	[dreg:$0x2] =	wrdreg s2  }
0xa9: {  	[dreg:$0x3] =	wrdreg s4  }
0xaa: {  	[dreg:$0x4] =	wrdreg $0xC0  }
0xab: {  	_ =	task [dreg:s6], $0x5FFFF  }
0xac: {  	[dreg:$0x1] =	wrdreg $0xFFFFFFFF  }
0xad: {  	[dreg:$0x0] =	wrdreg $0x60  }
0xae: {  	[dreg:$0x2] =	wrdreg s24  }
0xaf: {  	[dreg:$0x3] =	wrdreg $0x0  }
0xb0: {  	[dreg:$0x4] =	wrdreg $0x2780  }
0xb1: {  	[dreg:$0x5] =	wrdreg $0x9  }
0xb2: {  	_ =	task.clear_ibuf [dreg:s6], $0x6FFFF;
	_ =	strace $0x90000046  }
0xb3: {  	s29 =	simm.s32 $0x9;
	_ =	strace $0x80000048  }
0xb4: {  	_ =	swait.ge [sflag:s29], $0x1  }
0xb5: {  	[sflag:s29] =	ssyncadd.s32 $0xFFFFFFFF  }
0xb6: {  	_ =	strace $0x90000048  }
0xb7: {  	_ =	sfence  }
0xb8: {  	s30 =	sld [smem:$0x0];
	_ =	sdelay $0x2  }
0xb9: {  	s31 =	sshll.u32 s1, $0xD;
	s1 =	sshrl.u32 s1, $0x2  }
0xba: {  	s3 =	sand.u32 $0x4000, s31;
	s1 =	sadd.s32 s1, s30  }
0xbb: {  	s0 =	sor.u32 s3, s0;
	s1 =	sshll.u32 s1, $0x11  }
0xbc: {  	s0 =	sor.u32 s1, s0  }
0xbd: {  	s0 =	sadd.s32 $0x8F2B, s0  }
0xbe: {  	[sflag:s0] =	ssyncadd.remote.s32 $0x1  }
0xbf: {  	_ =	sfence.sel $0xFFFF  }
0xc0: {  	[dreg:$0x0] =	wrdreg $0xFFFFFFFF;
	(pc) =	sbr.abs _section_cstart, $3  }
0xc1: {  	[dreg:$0x1] =	wrdreg $0xFFFFFFFF  }
0xc2: {  	_ =	task.clear_ibuf [dreg:s6], $0x2FFFF;
	_ =	strace $0x9FFFFFFF  }
0xc3: {  	(tm) =	ssettm $0x7FFFFFFF  }
tec
execute0_lowered:
.L_overlay_start_1:
0x0: {  	(tag) =	ssettag $0x1  }
0x1: {  	s1 =	srdreg.scid;
	s5 =	rddreg [dreg:$0x0]  }
0x2: {  	s0 =	stileid.u32;
	s2 =	rddreg [dreg:$0x1]  }
0x3: {  	s3 =	rddreg [dreg:$0x2];
	s4 =	simm.s32 $0x0;
	s12 =	simm.s32 $0x670  }
0x4: {  	s13 =	simm.s32 $0x1;
	s14 =	simm.s32 $0x4F0;
	s7 =	smul.u32 $0x4E20, s0  }
0x5: {  	s15 =	simm.s32 $0x570;
	s6 =	sand.u32 $0x1, s1;
	s9 =	smul.u32 $0x278, s0  }
0x6: {  	s16 =	simm.s32 $0x50;
	s17 =	simm.s32 $0x5F0;
	s8 =	smul.u32 $0x2710, s6  }
0x7: {  	s18 =	simm.s32 $0x0;
	[smem:$0x7FF] =	sst s4;
	s10 =	smul.u32 $0x4F00, s6  }
0x8: {  	s1 =	rddreg [dreg:$0x3];
	_ =	strace $0x80000047;
	s6 =	ssub.s32 $0x2, s6  }
0x9: {  	s30 =	sshrl.u32 s6, $0x1;
	s7 =	sadd.s32 s8, s7;
	s29 =	sadd.s32 s9, s10  }
0xa: {  	s31 =	ssub.s32 s6, s30;
	s7 =	sshrl.u32 s7, $0x3;
	s8 =	sshrl.u32 s29, $0x3  }
0xb: {  	s6 =	sadd.s32 s9, s3;
	s11 =	sadd.s32 s7, s5;
	s8 =	sadd.s32 s8, s5  }
0xc: {  	s5 =	sadd.s32 s9, s2;
	s9 =	smax.u32 s31, $0x1;
	s7 =	sadd.s32 $0x16C00, s8  }
0xd: {  	v0 =	vimm.f32 $1.000000000e+00;
	v1 =	vimm.f32 $0.0e+00;
	s8 =	sadd.s32 $0x170F0, s8;
	s10 =	sadd.s32 $0x3000, s11;
	s11 =	sadd.s32 $0xCE00, s11  }
.LBB2_1:
0xe: {  	[tilespmem:$0x5F0] =	vst v0  }
0xf: {  	[tilespmem:$0x600] =	vst v0  }
0x10: {  	[tilespmem:$0x610] =	vst v0  }
0x11: {  	[tilespmem:$0x620] =	vst v0  }
0x12: {  	[tilespmem:$0x630] =	vst v0  }
0x13: {  	[tilespmem:$0x670] =	vst v1  }
0x14: {  	[tilespmem:$0x680] =	vst v1  }
0x15: {  	[tilespmem:$0x690] =	vst v1  }
0x16: {  	[tilespmem:$0x6A0] =	vst v1  }
0x17: {  	[tilespmem:$0x6B0] =	vst v1  }
0x18: {  	[tilespmem:$0x6C0] =	vst v1  }
0x19: {  	[tilespmem:$0x6D0] =	vst v1  }
0x1a: {  	[tilespmem:$0x6E0] =	vst v1  }
0x1b: {  	[tilespmem:$0x6F0] =	vst v1  }
0x1c: {  	[tilespmem:$0x700] =	vst v1  }
0x1d: {  	[tilespmem:$0x710] =	vst v1  }
0x1e: {  	[tilespmem:$0x720] =	vst v1  }
0x1f: {  	[tilespmem:$0x730] =	vst v1  }
0x20: {  	[tilespmem:$0x740] =	vst v1  }
0x21: {  	[tilespmem:$0x750] =	vst v1  }
0x22: {  	[tilespmem:$0x760] =	vst v1  }
0x23: {  	[tilespmem:$0x770] =	vst v1  }
0x24: {  	[tilespmem:$0x780] =	vst v1  }
0x25: {  	[tilespmem:$0x790] =	vst v1  }
0x26: {  	[tilespmem:$0x7A0] =	vst v1  }
0x27: {  	[tilespmem:$0x7B0] =	vst v1  }
0x28: {  	[tilespmem:$0x7C0] =	vst v1  }
0x29: {  	[tilespmem:$0x7D0] =	vst v1  }
0x2a: {  	[tilespmem:$0x7E0] =	vst v1  }
0x2b: {  	[tilespmem:$0x7F0] =	vst v1  }
0x2c: {  	[tilespmem:$0x800] =	vst v1  }
0x2d: {  	[tilespmem:$0x810] =	vst v1  }
0x2e: {  	[tilespmem:$0x820] =	vst v1  }
0x2f: {  	[tilespmem:$0x830] =	vst v1  }
0x30: {  	[tilespmem:$0x840] =	vst v1  }
0x31: {  	[tilespmem:$0x850] =	vst v1  }
0x32: {  	[tilespmem:$0x860] =	vst v1  }
0x33: {  	[tilespmem:$0x870] =	vst v1  }
0x34: {  	[tilespmem:$0x880] =	vst v1  }
0x35: {  	[tilespmem:$0x890] =	vst v1  }
0x36: {  	[tilespmem:$0x8A0] =	vst v1  }
0x37: {  	[tilespmem:$0x8B0] =	vst v1  }
0x38: {  	[tilespmem:$0x8C0] =	vst v1  }
0x39: {  	[tilespmem:$0x8D0] =	vst v1  }
0x3a: {  	[spmem:s5] =	stream.linear.scatter [tilespmem:s12], [sflag:$0x1], $0x278, $0x38;
	[tilespmem:$0x8F0] =	vst v63  }
0x3b: {  	_ =	swait.ge [sflag:s13], $0x278  }
0x3c: {  	[sflag:s13] =	ssyncset.done $0x0  }
0x3d: {  	[sflag:s13] =	ssyncadd.s32 $0xFFFFFD88  }
0x3e: {  	[spmem:s6] =	stream.linear.scatter [tilespmem:s12], [sflag:$0x1], $0x278, $0x38;
	[tilespmem:$0x8F0] =	vst v63  }
0x3f: {  	_ =	swait.ge [sflag:s13], $0x278  }
0x40: {  	[sflag:s13] =	ssyncset.done $0x0  }
0x41: {  	[sflag:s13] =	ssyncadd.s32 $0xFFFFFD88  }
0x42: {  	s19 =	sadd.s32 $0x0, s11;
	[bflag:$0x0] =	sbarrier.arrive $0xFFFF  }
0x43: {  	[tilespmem:s14], [sflag:$0x1] =	stream.linear.gather [hbm4b:s19+s4], $0x50, $0x38;
	[tilespmem:$0x8F0] =	vst v63  }
0x44: {  	_ =	swait.ge [sflag:s13], $0x50  }
0x45: {  	[sflag:s13] =	ssyncset.done $0x0  }
0x46: {  	s31 =	sadd.s32 $0x0, s10;
	[sflag:s13] =	ssyncadd.s32 $0xFFFFFFB0  }
0x47: {  	[tilespmem:s15], [sflag:$0x1] =	stream.linear.gather [hbm4b:s31+s4], $0x50, $0x38;
	[tilespmem:$0x8F0] =	vst v63  }
0x48: {  	_ =	swait.ge [sflag:s13], $0x50  }
0x49: {  	[sflag:s13] =	ssyncset.done $0x0  }
0x4a: {  	[sflag:s13] =	ssyncadd.s32 $0xFFFFFFB0  }
0x4b: {  	[spmem:s2] =	stream.indirect.scatter.add.f32 [tilespmem:s17], [sflag:$0x1], $0x1, s14, s16, $0xb8;
	[tilespmem:$0x8F0] =	vst v63  }
0x4c: {  	_ =	swait.ge [sflag:s13], $0x50  }
0x4d: {  	[sflag:s13] =	ssyncset.done $0x0  }
0x4e: {  	[sflag:s13] =	ssyncadd.s32 $0xFFFFFFB0  }
0x4f: {  	[spmem:s3] =	stream.indirect.scatter.add.f32 [tilespmem:s17], [sflag:$0x1], $0x1, s15, s16, $0xb8;
	[tilespmem:$0x8F0] =	vst v63  }
0x50: {  	_ =	swait.ge [sflag:s13], $0x50  }
0x51: {  	s20 =	simm.s32 $0x14;
	s19 =	simm.s32 $0xA;
	[sflag:s13] =	ssyncset.done $0x0  }
.LBB2_2:
0x52: {  	s21 =	sadd.s32 s19, s11  }
0x53: {  	[sflag:s13] =	ssyncadd.s32 $0xFFFFFFB0;
	s22 =	smov.u32 s20;
	s23 =	sadd.s32 $0xA, s20  }
0x54: {  	[tilespmem:s14], [sflag:$0x1] =	stream.linear.gather [hbm4b:s21+s4], $0x50, $0x38;
	[tilespmem:$0x8F0] =	vst v63  }
0x55: {  	p0 =	sne.s32 s20, $0x4D8;
	_ =	swait.ge [sflag:s13], $0x50  }
0x56: {  	[sflag:s13] =	ssyncset.done $0x0  }
0x57: {  	s20 =	sadd.s32 s19, s10;
	s19 =	smov.u32 s22;
	[sflag:s13] =	ssyncadd.s32 $0xFFFFFFB0  }
0x58: {  	[tilespmem:s15], [sflag:$0x1] =	stream.linear.gather [hbm4b:s20+s4], $0x50, $0x38;
	[tilespmem:$0x8F0] =	vst v63  }
0x59: {  	_ =	swait.ge [sflag:s13], $0x50  }
0x5a: {  	[sflag:s13] =	ssyncset.done $0x0  }
0x5b: {  	[sflag:s13] =	ssyncadd.s32 $0xFFFFFFB0  }
0x5c: {  	[spmem:s2] =	stream.indirect.scatter.add.f32 [tilespmem:s17], [sflag:$0x1], $0x1, s14, s16, $0xb8;
	[tilespmem:$0x8F0] =	vst v63  }
0x5d: {  	_ =	swait.ge [sflag:s13], $0x50  }
.Ltmp0:
0x5e: {  	[sflag:s13] =	ssyncset.done $0x0;
	(pc) =	sbr.rel @p0 .LBB2_2-.Ltmp0, $4  }
0x5f: {  	[sflag:s13] =	ssyncadd.s32 $0xFFFFFFB0  }
0x60: {  	[spmem:s3] =	stream.indirect.scatter.add.f32 [tilespmem:s17], [sflag:$0x1], $0x1, s15, s16, $0xb8;
	[tilespmem:$0x8F0] =	vst v63  }
0x61: {  	_ =	swait.ge [sflag:s13], $0x50  }
0x62: {  	s20 =	smov.u32 s23;
	[sflag:s13] =	ssyncset.done $0x0  }
0x63: {  	s20 =	sadd.s32 s19, s11;
	[sflag:s13] =	ssyncadd.s32 $0xFFFFFFB0  }
0x64: {  	[tilespmem:s14], [sflag:$0x1] =	stream.linear.gather [hbm4b:s20+s4], $0x50, $0x38;
	[tilespmem:$0x8F0] =	vst v63  }
0x65: {  	_ =	swait.ge [sflag:s13], $0x50  }
0x66: {  	[sflag:s13] =	ssyncset.done $0x0  }
0x67: {  	s31 =	sadd.s32 s19, s10;
	[sflag:s13] =	ssyncadd.s32 $0xFFFFFFB0  }
0x68: {  	[tilespmem:s15], [sflag:$0x1] =	stream.linear.gather [hbm4b:s31+s4], $0x50, $0x38;
	[tilespmem:$0x8F0] =	vst v63  }
0x69: {  	_ =	swait.ge [sflag:s13], $0x50  }
0x6a: {  	[sflag:s13] =	ssyncset.done $0x0  }
0x6b: {  	[sflag:s13] =	ssyncadd.s32 $0xFFFFFFB0  }
0x6c: {  	[spmem:s2] =	stream.indirect.scatter.add.f32 [tilespmem:s17], [sflag:$0x1], $0x1, s14, s16, $0xb8;
	[tilespmem:$0x8F0] =	vst v63  }
0x6d: {  	_ =	swait.ge [sflag:s13], $0x50  }
0x6e: {  	[sflag:s13] =	ssyncset.done $0x0  }
0x6f: {  	[sflag:s13] =	ssyncadd.s32 $0xFFFFFFB0  }
0x70: {  	[spmem:s3] =	stream.indirect.scatter.add.f32 [tilespmem:s17], [sflag:$0x1], $0x1, s15, s16, $0xb8;
	[tilespmem:$0x8F0] =	vst v63  }
0x71: {  	_ =	swait.ge [sflag:s13], $0x50  }
0x72: {  	[sflag:s13] =	ssyncset.done $0x0  }
0x73: {  	[sflag:s13] =	ssyncadd.s32 $0xFFFFFFB0  }
0x74: {  	[bflag:$0x0] =	sbarrier.arrive $0xFFFF  }
0x75: {  	[tilespmem:s12], [sflag:$0x1] =	stream.linear.gather [spmem:s5], $0x278, $0x38;
	[tilespmem:$0x8F0] =	vst v63  }
0x76: {  	_ =	swait.ge [sflag:s13], $0x278  }
0x77: {  	[sflag:s13] =	ssyncset.done $0x0  }
0x78: {  	[sflag:s13] =	ssyncadd.s32 $0xFFFFFD88  }
0x79: {  	[hbm4b:s7+s4] =	stream.linear.scatter [tilespmem:s12], [sflag:$0x1], $0x278, $0x38;
	[tilespmem:$0x8F0] =	vst v63  }
0x7a: {  	_ =	swait.ge [sflag:s13], $0x278  }
0x7b: {  	[sflag:s13] =	ssyncset.done $0x0  }
0x7c: {  	[sflag:s13] =	ssyncadd.s32 $0xFFFFFD88  }
0x7d: {  	[tilespmem:s12], [sflag:$0x1] =	stream.linear.gather [spmem:s6], $0x278, $0x38;
	[tilespmem:$0x8F0] =	vst v63  }
0x7e: {  	s18 =	sadd.s32 $0x1, s18;
	_ =	swait.ge [sflag:s13], $0x278  }
0x7f: {  	p0 =	sne.s32 s18, s9;
	[sflag:s13] =	ssyncset.done $0x0  }
.Ltmp1:
0x80: {  	[sflag:s13] =	ssyncadd.s32 $0xFFFFFD88;
	(pc) =	sbr.rel @p0 .LBB2_1-.Ltmp1, $4  }
0x81: {  	[hbm4b:s8+s4] =	stream.linear.scatter [tilespmem:s12], [sflag:$0x1], $0x278, $0x38;
	[tilespmem:$0x8F0] =	vst v63  }
0x82: {  	_ =	swait.ge [sflag:s13], $0x278  }
0x83: {  	[sflag:s13] =	ssyncset.done $0x0  }
0x84: {  	[sflag:s13] =	ssyncadd.s32 $0xFFFFFD88  }
0x85: {  	_ =	sfence.sel $0x180000  }
0x86: {  	[bflag:$0x0] =	sbarrier.arrive $0xFFFF  }
0x87: {  	p0 =	sne.s32 s0, $0x0;
	_ =	strace $0x90000047  }
0x88: {  	s0 =	sadd.s32 @!p0 $0x100000, s1;
	[bflag:$0x2] =	sbarrier.arrive $0xFFFF  }
0x89: {  	[sflag:s0] =	ssyncadd.tile.s32 @!p0 $0x1;
	_ =	shalt  }
.Lfunc_end2:
_tile_overlayer_lowered:
.L_overlay_start_2:
0x8a: {  	(tag) =	ssettag $0x2  }
0x8b: {  	s0 =	rddreg [dreg:$0x0];
	s2 =	stileid.u32  }
0x8c: {  	s1 =	rddreg [dreg:$0x1];
	p0 =	sne.s32 s2, $0x0  }
0x8d: {  	s3 =	rddreg [dreg:$0x2];
	[bflag:$0x3] =	sbarrier.arrive $0xFFFF;
	s2 =	simm.s32 @!p0 $0x1C01  }
0x8e: {  	[timem:s3], [sflag:s2] =	dma.local @!p0 [hbm:s0], s1  }
0x8f: {  	s0 =	simm.s32 @!p0 $0x1  }
0x90: {  	_ =	swait.ge @!p0 [sflag:s0], s1  }
0x91: {  	s1 =	ssub.s32 @!p0 $0x0, s1;
	[sflag:s0] =	ssyncset.done @!p0 $0x0  }
0x92: {  	[sflag:s0] =	ssyncadd.s32 @!p0 s1  }
0x93: {  	[bflag:$0x3] =	sbarrier.arrive $0xFFFF  }
0x94: {  	_ =	shalt  }

</sc_bundles>
